<compile_context>
chip_gen: v7x
topology: tpu7x:2x2x1
jax: 0.10.2.dev20260603
libtpu: 0.0.44.dev20260713+nightly
codegen_flags: <defaults>
</compile_context>

<pallas_src>
import functools

import jax
import jax.numpy as jnp
from jax import lax
from jax.experimental import pallas as pl
from jax.experimental.pallas import tpu as pltpu
from jax.experimental.pallas import tpu_sc as plsc

N_E = 1024
E_DIM = 64
Z_CH = 192
BETA = 0.25
NB = 2
T = 16384
TT = NB * T

BT1 = 8192
BT2 = 4096

NW = 32
CH = 128
NCH = TT // (NW * CH)
BPW = NCH * CH
PD = 128
NPASS = 2
NCHP = NCH // NPASS
HBPW = BPW // NPASS


def _e2_tree(sq):
    acc = sq[:, 0:8]
    for k in range(1, 8):
        acc = acc + sq[:, 8 * k:8 * k + 8]
    h = acc[:, 0:4] + acc[:, 4:8]
    h = h[:, 0:2] + h[:, 2:4]
    return h[:, 0:1] + h[:, 1:2]


def _z2_tree(sq):
    chunks = []
    for c in range(8):
        r = [sq[8 * c + i:8 * c + i + 1, :] for i in range(8)]
        l1 = [r[0] + r[1], r[2] + r[3], r[4] + r[5], r[6] + r[7]]
        l2 = [l1[0] + l1[1], l1[2] + l1[3]]
        chunks.append(l2[0] + l2[1])
    acc = chunks[0]
    for c in range(1, 8):
        acc = acc + chunks[c]
    return acc


def _stage1_body(z_ref, wq_ref, bq_ref, emb_ref,
                 idx_ref, loss_ref, emb_pad_ref, e2_ref):
    b = pl.program_id(0)
    t = pl.program_id(1)

    @pl.when((b == 0) & (t == 0))
    def _():
        embv = emb_ref[...]
        e2_ref[...] = _e2_tree(embv * embv)
        emb_pad_ref[...] = jnp.concatenate(
            [embv, jnp.zeros((N_E, PD - E_DIM), jnp.float32)], axis=1)
        loss_ref[...] = jnp.zeros((1, 1), jnp.float32)

    zp = jnp.dot(wq_ref[...], z_ref[0],
                 preferred_element_type=jnp.float32) + bq_ref[...]
    emb = emb_ref[...]
    e2 = e2_ref[...]
    z2 = _z2_tree(zp * zp)
    s = jnp.dot(emb, zp, preferred_element_type=jnp.float32)
    d = (z2 + e2) - 2.0 * s
    m = jnp.min(d, axis=0, keepdims=True)
    rows = lax.broadcasted_iota(jnp.int32, d.shape, 0)
    idx = jnp.min(jnp.where(d == m, rows, N_E), axis=0,
                  keepdims=True)
    for i in range(BT1 // CH):
        idx_ref[i:i + 1, :] = idx[:, CH * i:CH * (i + 1)]
    loss_ref[...] += jnp.sum(m).reshape(1, 1)


def _stage3_body(zq_ref, wp_ref, bp_ref, out_ref):
    zq = zq_ref[0][:, :E_DIM]
    out_ref[0] = lax.dot_general(
        wp_ref[...], zq, (((1,), (1,)), ((), ())),
        preferred_element_type=jnp.float32) + bp_ref[...]


@functools.cache
def _make_sc_gather():
    @functools.partial(
        pl.kernel,
        mesh=plsc.VectorSubcoreMesh(core_axis_name="c", subcore_axis_name="s"),
        out_type=jax.ShapeDtypeStruct((TT, PD), jnp.float32),
        scratch_types=[
            pltpu.VMEM((NCH, CH), jnp.int32),
            pltpu.VMEM((HBPW, PD), jnp.float32),
            pltpu.SemaphoreType.DMA,
        ],
    )
    def _sc_gather(emb_hbm, idx_hbm, out_hbm, idx_v, rows_v, sem):
        wid = lax.axis_index("s") * 2 + lax.axis_index("c")
        base = wid * BPW
        pltpu.sync_copy(idx_hbm.at[pl.ds(wid * NCH, NCH)], idx_v)
        for p in range(NPASS):
            copies = []
            for j in range(NCHP):
                copies.append(pltpu.async_copy(
                    emb_hbm.at[idx_v.at[p * NCHP + j]],
                    rows_v.at[pl.ds(j * CH, CH)], sem))
            for c in copies:
                c.wait()
            pltpu.sync_copy(rows_v, out_hbm.at[pl.ds(base + p * HBPW, HBPW)])

    return _sc_gather


def _stage1(z3, Wq, bq2, embedding, interpret=False):
    return pl.pallas_call(
        _stage1_body,
        grid=(NB, T // BT1),
        in_specs=[
            pl.BlockSpec((1, Z_CH, BT1), lambda b, t: (b, 0, t)),
            pl.BlockSpec((E_DIM, Z_CH), lambda b, t: (0, 0)),
            pl.BlockSpec((E_DIM, 1), lambda b, t: (0, 0)),
            pl.BlockSpec((N_E, E_DIM), lambda b, t: (0, 0)),
        ],
        out_specs=[
            pl.BlockSpec((BT1 // CH, CH), lambda b, t: (b * (T // BT1) + t, 0)),
            pl.BlockSpec((1, 1), lambda b, t: (0, 0)),
            pl.BlockSpec((N_E, PD), lambda b, t: (0, 0)),
        ],
        out_shape=[
            jax.ShapeDtypeStruct((TT // CH, CH), jnp.int32),
            jax.ShapeDtypeStruct((1, 1), jnp.float32),
            jax.ShapeDtypeStruct((N_E, PD), jnp.float32),
        ],
        scratch_shapes=[pltpu.VMEM((N_E, 1), jnp.float32)],
        compiler_params=pltpu.CompilerParams(
            dimension_semantics=("arbitrary", "arbitrary")),
        interpret=interpret,
    )(z3, Wq, bq2, embedding)


def _stage3(zq3, Wp, bp2, interpret=False):
    return pl.pallas_call(
        _stage3_body,
        grid=(NB, T // BT2),
        in_specs=[
            pl.BlockSpec((1, BT2, PD), lambda b, t: (b, t, 0)),
            pl.BlockSpec((Z_CH, E_DIM), lambda b, t: (0, 0)),
            pl.BlockSpec((Z_CH, 1), lambda b, t: (0, 0)),
        ],
        out_specs=pl.BlockSpec((1, Z_CH, BT2), lambda b, t: (b, 0, t)),
        out_shape=jax.ShapeDtypeStruct((NB, Z_CH, T), jnp.float32),
        compiler_params=pltpu.CompilerParams(
            dimension_semantics=("arbitrary", "arbitrary")),
        interpret=interpret,
    )(zq3, Wp, bp2)


def kernel(z, embedding, Wq, bq, Wp, bp):
    z3 = z.reshape(NB, Z_CH, T)
    idx2, loss_acc, emb_pad = _stage1(z3, Wq, bq.reshape(E_DIM, 1), embedding)

    zq = _make_sc_gather()(emb_pad, idx2)

    out3 = _stage3(zq.reshape(NB, T, PD), Wp, bp.reshape(Z_CH, 1))

    mean_d = loss_acc[0, 0] / (TT * E_DIM)
    loss = mean_d + BETA * mean_d
    return out3.reshape(z.shape), loss, idx2.reshape(TT)

# --- scband reference (transcript-rebuilt; emitter-appended) ---
"""Pipeline reference for scband-vector-quantizer-38886633898722 (READ-ONLY COPY).

The authoritative reference and input builder live on the scoring server;
editing this copy changes nothing except your own understanding.
"""

import jax, jax.numpy as jnp
import numpy as np

N_E = 1024
E_DIM = 64
Z_CH = 192
BETA = 0.25


def setup_inputs(seed: int = 0) -> dict:
    key = jax.random.key(seed)
    ks = jax.random.split(key, 6)
    z = jax.random.normal(ks[0], (2, Z_CH, 16, 32, 32), dtype=jnp.float32)
    embedding = jax.random.uniform(ks[1], (N_E, E_DIM), minval=-1.0 / N_E, maxval=1.0 / N_E, dtype=jnp.float32)
    Wq = jax.random.normal(ks[2], (E_DIM, Z_CH), dtype=jnp.float32) * 0.05
    bq = jnp.zeros((E_DIM,), dtype=jnp.float32)
    Wp = jax.random.normal(ks[3], (Z_CH, E_DIM), dtype=jnp.float32) * 0.05
    bp = jnp.zeros((Z_CH,), dtype=jnp.float32)
    return {"z": z, "embedding": embedding, "Wq": Wq, "bq": bq, "Wp": Wp, "bp": bp}


def reference(z, embedding, Wq, bq, Wp, bp):
    # quant_conv: 1x1x1 Conv3d == per-voxel linear
    zq1 = jnp.einsum('bcdhw,ec->bedhw', z, Wq) + bq[None, :, None, None, None]
    # rearrange b c d h w -> b d h w c
    zp = jnp.transpose(zq1, (0, 2, 3, 4, 1))
    z_flattened = zp.reshape(-1, E_DIM)
    d = (jnp.sum(z_flattened ** 2, axis=1, keepdims=True)
         + jnp.sum(embedding ** 2, axis=1)[None, :]
         - 2.0 * (z_flattened @ embedding.T))
    min_encoding_indices = jnp.argmin(d, axis=1)
    z_q = jnp.take(embedding, min_encoding_indices, axis=0).reshape(zp.shape)
    # legacy=True loss
    loss = jnp.mean((jax.lax.stop_gradient(z_q) - zp) ** 2) + BETA * jnp.mean((z_q - jax.lax.stop_gradient(zp)) ** 2)
    # straight-through estimator
    z_q = zp + jax.lax.stop_gradient(z_q - zp)
    # rearrange b d h w c -> b c d h w
    z_q = jnp.transpose(z_q, (0, 4, 1, 2, 3))
    # post_quant_conv: 1x1x1 Conv3d
    out = jnp.einsum('bedhw,ce->bcdhw', z_q, Wp) + bp[None, :, None, None, None]
    return (out, loss, min_encoding_indices)

if __name__ == "__main__":
    import jax
    _d = setup_inputs()
    print(jax.jit(kernel)(*tuple(_d.values())))

</pallas_src>

<mosaic_0001>
#map = affine_map<(d0, d1) -> (0, 0)>
module attributes {stable_mosaic.version = 14 : i64} {
  func.func @_sc_gather(%arg0: i32, %arg1: i32, %arg2: memref<1024x128xf32, #tpu.memory_space<hbm>>, %arg3: memref<256x128xi32, #tpu.memory_space<hbm>>, %arg4: memref<32768x128xf32, #tpu.memory_space<hbm>>, %arg5: memref<8x128xi32, #tpu.memory_space<vmem>>, %arg6: memref<512x128xf32, #tpu.memory_space<vmem>>, %arg7: memref<!tpu.dma_semaphore, #tpu.memory_space<semaphore_mem>>) attributes {dimension_semantics = [#tpu.dimension_semantics<core_parallel>, #tpu.dimension_semantics<subcore_parallel>], iteration_bounds = array<i64: 2, 16>, scalar_prefetch = 0 : i64, scratch_operands = 3 : i64, tpu.core_type = #tpu.core_type<sc_vector_subcore>, window_params = [{transform_indices = #map}, {transform_indices = #map}, {transform_indices = #map}]} {
    %mul3A = arith.constant 2 : i32
    %mul3A_0 = arith.muli %arg1, %mul3A : i32
    %add3A = arith.addi %mul3A_0, %arg0 : i32
    %mul3A_1 = arith.constant 1024 : i32
    %mul3A_2 = arith.muli %add3A, %mul3A_1 : i32
    %mul3A_3 = arith.constant 8 : i32
    %mul3A_4 = arith.muli %add3A, %mul3A_3 : i32
    "tpu.region"() ({
      %run_scoped3A = tpu.sem_alloc : memref<!tpu.dma_semaphore, #tpu.memory_space<semaphore_mem>>
      %dma_start3A_167 = arith.constant 0 : i32
      %dma_start3A_168 = tpu.memref_slice %arg3[%mul3A_4, %dma_start3A_167] : memref<256x128xi32, #tpu.memory_space<hbm>> -> memref<8x128xi32, #tpu.memory_space<hbm>>
      %dma_start3A_169 = arith.constant 0 : i32
      %dma_start3A_170 = tpu.memref_slice %arg3[%mul3A_4, %dma_start3A_169] : memref<256x128xi32, #tpu.memory_space<hbm>> -> memref<8x128xi32, #tpu.memory_space<hbm>>
      tpu.enqueue_dma source(%dma_start3A_170 : memref<8x128xi32, #tpu.memory_space<hbm>>) target(%arg5 : memref<8x128xi32, #tpu.memory_space<vmem>>) target_semaphore(%run_scoped3A : memref<!tpu.dma_semaphore, #tpu.memory_space<semaphore_mem>>)
      %dma_wait3A_171 = arith.constant 0 : i32
      %dma_wait3A_172 = tpu.memref_slice %arg3[%mul3A_4, %dma_wait3A_171] : memref<256x128xi32, #tpu.memory_space<hbm>> -> memref<8x128xi32, #tpu.memory_space<hbm>>
      %dma_wait3A_173 = arith.constant 0 : i32
      %dma_wait3A_174 = tpu.memref_slice %arg3[%mul3A_4, %dma_wait3A_173] : memref<256x128xi32, #tpu.memory_space<hbm>> -> memref<8x128xi32, #tpu.memory_space<hbm>>
      tpu.wait_dma2 semaphore(%run_scoped3A : memref<!tpu.dma_semaphore, #tpu.memory_space<semaphore_mem>>) src(%dma_wait3A_174 : memref<8x128xi32, #tpu.memory_space<hbm>>) dst(%arg5 : memref<8x128xi32, #tpu.memory_space<vmem>>)
      tpu.yield
    }) : () -> ()
    %dma_start3A = arith.constant 0 : i32
    %dma_start3A_5 = arith.constant 0 : i32
    %dma_start3A_6 = arith.constant 0 : i32
    %dma_start3A_7 = tpu.memref_slice %arg6[%dma_start3A_5, %dma_start3A_6] : memref<512x128xf32, #tpu.memory_space<vmem>> -> memref<128x128xf32, #tpu.memory_space<vmem>>
    %dma_start3A_8 = arith.constant 0 : i32
    %dma_start3A_9 = tpu.memref_slice %arg5[%dma_start3A, %dma_start3A_8] : memref<8x128xi32, #tpu.memory_space<vmem>> -> memref<1x128xi32, #tpu.memory_space<vmem>>
    %dma_start3A_10 = tpu.memref_squeeze %dma_start3A_9 : memref<1x128xi32, #tpu.memory_space<vmem>> -> memref<128xi32, #tpu.memory_space<vmem>>
    %dma_start3A_11 = arith.constant 0 : i32
    %dma_start3A_12 = arith.constant 0 : i32
    %dma_start3A_13 = tpu.memref_slice %arg2[%dma_start3A_11, %dma_start3A_12] : memref<1024x128xf32, #tpu.memory_space<hbm>> -> memref<1024x128xf32, #tpu.memory_space<hbm>>
    tpu.enqueue_indirect_dma source(%dma_start3A_13 : memref<1024x128xf32, #tpu.memory_space<hbm>>) target(%dma_start3A_7 : memref<128x128xf32, #tpu.memory_space<vmem>>) offsets(%dma_start3A_10 : memref<128xi32, #tpu.memory_space<vmem>>) semaphore(%arg7 : memref<!tpu.dma_semaphore, #tpu.memory_space<semaphore_mem>>)
    %dma_start3A_14 = arith.constant 1 : i32
    %dma_start3A_15 = arith.constant 128 : i32
    %dma_start3A_16 = arith.constant 0 : i32
    %dma_start3A_17 = tpu.memref_slice %arg6[%dma_start3A_15, %dma_start3A_16] : memref<512x128xf32, #tpu.memory_space<vmem>> -> memref<128x128xf32, #tpu.memory_space<vmem>>
    %dma_start3A_18 = arith.constant 0 : i32
    %dma_start3A_19 = tpu.memref_slice %arg5[%dma_start3A_14, %dma_start3A_18] : memref<8x128xi32, #tpu.memory_space<vmem>> -> memref<1x128xi32, #tpu.memory_space<vmem>>
    %dma_start3A_20 = tpu.memref_squeeze %dma_start3A_19 : memref<1x128xi32, #tpu.memory_space<vmem>> -> memref<128xi32, #tpu.memory_space<vmem>>
    %dma_start3A_21 = arith.constant 0 : i32
    %dma_start3A_22 = arith.constant 0 : i32
    %dma_start3A_23 = tpu.memref_slice %arg2[%dma_start3A_21, %dma_start3A_22] : memref<1024x128xf32, #tpu.memory_space<hbm>> -> memref<1024x128xf32, #tpu.memory_space<hbm>>
    tpu.enqueue_indirect_dma source(%dma_start3A_23 : memref<1024x128xf32, #tpu.memory_space<hbm>>) target(%dma_start3A_17 : memref<128x128xf32, #tpu.memory_space<vmem>>) offsets(%dma_start3A_20 : memref<128xi32, #tpu.memory_space<vmem>>) semaphore(%arg7 : memref<!tpu.dma_semaphore, #tpu.memory_space<semaphore_mem>>)
    %dma_start3A_24 = arith.constant 2 : i32
    %dma_start3A_25 = arith.constant 256 : i32
    %dma_start3A_26 = arith.constant 0 : i32
    %dma_start3A_27 = tpu.memref_slice %arg6[%dma_start3A_25, %dma_start3A_26] : memref<512x128xf32, #tpu.memory_space<vmem>> -> memref<128x128xf32, #tpu.memory_space<vmem>>
    %dma_start3A_28 = arith.constant 0 : i32
    %dma_start3A_29 = tpu.memref_slice %arg5[%dma_start3A_24, %dma_start3A_28] : memref<8x128xi32, #tpu.memory_space<vmem>> -> memref<1x128xi32, #tpu.memory_space<vmem>>
    %dma_start3A_30 = tpu.memref_squeeze %dma_start3A_29 : memref<1x128xi32, #tpu.memory_space<vmem>> -> memref<128xi32, #tpu.memory_space<vmem>>
    %dma_start3A_31 = arith.constant 0 : i32
    %dma_start3A_32 = arith.constant 0 : i32
    %dma_start3A_33 = tpu.memref_slice %arg2[%dma_start3A_31, %dma_start3A_32] : memref<1024x128xf32, #tpu.memory_space<hbm>> -> memref<1024x128xf32, #tpu.memory_space<hbm>>
    tpu.enqueue_indirect_dma source(%dma_start3A_33 : memref<1024x128xf32, #tpu.memory_space<hbm>>) target(%dma_start3A_27 : memref<128x128xf32, #tpu.memory_space<vmem>>) offsets(%dma_start3A_30 : memref<128xi32, #tpu.memory_space<vmem>>) semaphore(%arg7 : memref<!tpu.dma_semaphore, #tpu.memory_space<semaphore_mem>>)
    %dma_start3A_34 = arith.constant 3 : i32
    %dma_start3A_35 = arith.constant 384 : i32
    %dma_start3A_36 = arith.constant 0 : i32
    %dma_start3A_37 = tpu.memref_slice %arg6[%dma_start3A_35, %dma_start3A_36] : memref<512x128xf32, #tpu.memory_space<vmem>> -> memref<128x128xf32, #tpu.memory_space<vmem>>
    %dma_start3A_38 = arith.constant 0 : i32
    %dma_start3A_39 = tpu.memref_slice %arg5[%dma_start3A_34, %dma_start3A_38] : memref<8x128xi32, #tpu.memory_space<vmem>> -> memref<1x128xi32, #tpu.memory_space<vmem>>
    %dma_start3A_40 = tpu.memref_squeeze %dma_start3A_39 : memref<1x128xi32, #tpu.memory_space<vmem>> -> memref<128xi32, #tpu.memory_space<vmem>>
    %dma_start3A_41 = arith.constant 0 : i32
    %dma_start3A_42 = arith.constant 0 : i32
    %dma_start3A_43 = tpu.memref_slice %arg2[%dma_start3A_41, %dma_start3A_42] : memref<1024x128xf32, #tpu.memory_space<hbm>> -> memref<1024x128xf32, #tpu.memory_space<hbm>>
    tpu.enqueue_indirect_dma source(%dma_start3A_43 : memref<1024x128xf32, #tpu.memory_space<hbm>>) target(%dma_start3A_37 : memref<128x128xf32, #tpu.memory_space<vmem>>) offsets(%dma_start3A_40 : memref<128xi32, #tpu.memory_space<vmem>>) semaphore(%arg7 : memref<!tpu.dma_semaphore, #tpu.memory_space<semaphore_mem>>)
    %dma_wait3A = arith.constant 0 : i32
    %dma_wait3A_44 = arith.constant 0 : i32
    %dma_wait3A_45 = arith.constant 0 : i32
    %dma_wait3A_46 = tpu.memref_slice %arg6[%dma_wait3A_44, %dma_wait3A_45] : memref<512x128xf32, #tpu.memory_space<vmem>> -> memref<128x128xf32, #tpu.memory_space<vmem>>
    %dma_wait3A_47 = arith.constant 0 : i32
    %dma_wait3A_48 = tpu.memref_slice %arg5[%dma_wait3A, %dma_wait3A_47] : memref<8x128xi32, #tpu.memory_space<vmem>> -> memref<1x128xi32, #tpu.memory_space<vmem>>
    %dma_wait3A_49 = tpu.memref_squeeze %dma_wait3A_48 : memref<1x128xi32, #tpu.memory_space<vmem>> -> memref<128xi32, #tpu.memory_space<vmem>>
    %dma_wait3A_50 = arith.constant 0 : i32
    %dma_wait3A_51 = arith.constant 0 : i32
    %dma_wait3A_52 = tpu.memref_slice %arg2[%dma_wait3A_50, %dma_wait3A_51] : memref<1024x128xf32, #tpu.memory_space<hbm>> -> memref<1024x128xf32, #tpu.memory_space<hbm>>
    tpu.wait_indirect_dma semaphore(%arg7 : memref<!tpu.dma_semaphore, #tpu.memory_space<semaphore_mem>>) src(%dma_wait3A_52 : memref<1024x128xf32, #tpu.memory_space<hbm>>) dst(%dma_wait3A_46 : memref<128x128xf32, #tpu.memory_space<vmem>>)
    %dma_wait3A_53 = arith.constant 1 : i32
    %dma_wait3A_54 = arith.constant 128 : i32
    %dma_wait3A_55 = arith.constant 0 : i32
    %dma_wait3A_56 = tpu.memref_slice %arg6[%dma_wait3A_54, %dma_wait3A_55] : memref<512x128xf32, #tpu.memory_space<vmem>> -> memref<128x128xf32, #tpu.memory_space<vmem>>
    %dma_wait3A_57 = arith.constant 0 : i32
    %dma_wait3A_58 = tpu.memref_slice %arg5[%dma_wait3A_53, %dma_wait3A_57] : memref<8x128xi32, #tpu.memory_space<vmem>> -> memref<1x128xi32, #tpu.memory_space<vmem>>
    %dma_wait3A_59 = tpu.memref_squeeze %dma_wait3A_58 : memref<1x128xi32, #tpu.memory_space<vmem>> -> memref<128xi32, #tpu.memory_space<vmem>>
    %dma_wait3A_60 = arith.constant 0 : i32
    %dma_wait3A_61 = arith.constant 0 : i32
    %dma_wait3A_62 = tpu.memref_slice %arg2[%dma_wait3A_60, %dma_wait3A_61] : memref<1024x128xf32, #tpu.memory_space<hbm>> -> memref<1024x128xf32, #tpu.memory_space<hbm>>
    tpu.wait_indirect_dma semaphore(%arg7 : memref<!tpu.dma_semaphore, #tpu.memory_space<semaphore_mem>>) src(%dma_wait3A_62 : memref<1024x128xf32, #tpu.memory_space<hbm>>) dst(%dma_wait3A_56 : memref<128x128xf32, #tpu.memory_space<vmem>>)
    %dma_wait3A_63 = arith.constant 2 : i32
    %dma_wait3A_64 = arith.constant 256 : i32
    %dma_wait3A_65 = arith.constant 0 : i32
    %dma_wait3A_66 = tpu.memref_slice %arg6[%dma_wait3A_64, %dma_wait3A_65] : memref<512x128xf32, #tpu.memory_space<vmem>> -> memref<128x128xf32, #tpu.memory_space<vmem>>
    %dma_wait3A_67 = arith.constant 0 : i32
    %dma_wait3A_68 = tpu.memref_slice %arg5[%dma_wait3A_63, %dma_wait3A_67] : memref<8x128xi32, #tpu.memory_space<vmem>> -> memref<1x128xi32, #tpu.memory_space<vmem>>
    %dma_wait3A_69 = tpu.memref_squeeze %dma_wait3A_68 : memref<1x128xi32, #tpu.memory_space<vmem>> -> memref<128xi32, #tpu.memory_space<vmem>>
    %dma_wait3A_70 = arith.constant 0 : i32
    %dma_wait3A_71 = arith.constant 0 : i32
    %dma_wait3A_72 = tpu.memref_slice %arg2[%dma_wait3A_70, %dma_wait3A_71] : memref<1024x128xf32, #tpu.memory_space<hbm>> -> memref<1024x128xf32, #tpu.memory_space<hbm>>
    tpu.wait_indirect_dma semaphore(%arg7 : memref<!tpu.dma_semaphore, #tpu.memory_space<semaphore_mem>>) src(%dma_wait3A_72 : memref<1024x128xf32, #tpu.memory_space<hbm>>) dst(%dma_wait3A_66 : memref<128x128xf32, #tpu.memory_space<vmem>>)
    %dma_wait3A_73 = arith.constant 3 : i32
    %dma_wait3A_74 = arith.constant 384 : i32
    %dma_wait3A_75 = arith.constant 0 : i32
    %dma_wait3A_76 = tpu.memref_slice %arg6[%dma_wait3A_74, %dma_wait3A_75] : memref<512x128xf32, #tpu.memory_space<vmem>> -> memref<128x128xf32, #tpu.memory_space<vmem>>
    %dma_wait3A_77 = arith.constant 0 : i32
    %dma_wait3A_78 = tpu.memref_slice %arg5[%dma_wait3A_73, %dma_wait3A_77] : memref<8x128xi32, #tpu.memory_space<vmem>> -> memref<1x128xi32, #tpu.memory_space<vmem>>
    %dma_wait3A_79 = tpu.memref_squeeze %dma_wait3A_78 : memref<1x128xi32, #tpu.memory_space<vmem>> -> memref<128xi32, #tpu.memory_space<vmem>>
    %dma_wait3A_80 = arith.constant 0 : i32
    %dma_wait3A_81 = arith.constant 0 : i32
    %dma_wait3A_82 = tpu.memref_slice %arg2[%dma_wait3A_80, %dma_wait3A_81] : memref<1024x128xf32, #tpu.memory_space<hbm>> -> memref<1024x128xf32, #tpu.memory_space<hbm>>
    tpu.wait_indirect_dma semaphore(%arg7 : memref<!tpu.dma_semaphore, #tpu.memory_space<semaphore_mem>>) src(%dma_wait3A_82 : memref<1024x128xf32, #tpu.memory_space<hbm>>) dst(%dma_wait3A_76 : memref<128x128xf32, #tpu.memory_space<vmem>>)
    %add3A_83 = arith.constant 0 : i32
    %add3A_84 = arith.addi %mul3A_2, %add3A_83 : i32
    "tpu.region"() ({
      %run_scoped3A = tpu.sem_alloc : memref<!tpu.dma_semaphore, #tpu.memory_space<semaphore_mem>>
      %dma_start3A_167 = arith.constant 0 : i32
      %dma_start3A_168 = tpu.memref_slice %arg4[%add3A_84, %dma_start3A_167] : memref<32768x128xf32, #tpu.memory_space<hbm>> -> memref<512x128xf32, #tpu.memory_space<hbm>>
      %dma_start3A_169 = arith.constant 0 : i32
      %dma_start3A_170 = tpu.memref_slice %arg4[%add3A_84, %dma_start3A_169] : memref<32768x128xf32, #tpu.memory_space<hbm>> -> memref<512x128xf32, #tpu.memory_space<hbm>>
      tpu.enqueue_dma source(%arg6 : memref<512x128xf32, #tpu.memory_space<vmem>>) target(%dma_start3A_170 : memref<512x128xf32, #tpu.memory_space<hbm>>) target_semaphore(%run_scoped3A : memref<!tpu.dma_semaphore, #tpu.memory_space<semaphore_mem>>)
      %dma_wait3A_171 = arith.constant 0 : i32
      %dma_wait3A_172 = tpu.memref_slice %arg4[%add3A_84, %dma_wait3A_171] : memref<32768x128xf32, #tpu.memory_space<hbm>> -> memref<512x128xf32, #tpu.memory_space<hbm>>
      %dma_wait3A_173 = arith.constant 0 : i32
      %dma_wait3A_174 = tpu.memref_slice %arg4[%add3A_84, %dma_wait3A_173] : memref<32768x128xf32, #tpu.memory_space<hbm>> -> memref<512x128xf32, #tpu.memory_space<hbm>>
      tpu.wait_dma2 semaphore(%run_scoped3A : memref<!tpu.dma_semaphore, #tpu.memory_space<semaphore_mem>>) src(%arg6 : memref<512x128xf32, #tpu.memory_space<vmem>>) dst(%dma_wait3A_174 : memref<512x128xf32, #tpu.memory_space<hbm>>)
      tpu.yield
    }) : () -> ()
    %dma_start3A_85 = arith.constant 4 : i32
    %dma_start3A_86 = arith.constant 0 : i32
    %dma_start3A_87 = arith.constant 0 : i32
    %dma_start3A_88 = tpu.memref_slice %arg6[%dma_start3A_86, %dma_start3A_87] : memref<512x128xf32, #tpu.memory_space<vmem>> -> memref<128x128xf32, #tpu.memory_space<vmem>>
    %dma_start3A_89 = arith.constant 0 : i32
    %dma_start3A_90 = tpu.memref_slice %arg5[%dma_start3A_85, %dma_start3A_89] : memref<8x128xi32, #tpu.memory_space<vmem>> -> memref<1x128xi32, #tpu.memory_space<vmem>>
    %dma_start3A_91 = tpu.memref_squeeze %dma_start3A_90 : memref<1x128xi32, #tpu.memory_space<vmem>> -> memref<128xi32, #tpu.memory_space<vmem>>
    %dma_start3A_92 = arith.constant 0 : i32
    %dma_start3A_93 = arith.constant 0 : i32
    %dma_start3A_94 = tpu.memref_slice %arg2[%dma_start3A_92, %dma_start3A_93] : memref<1024x128xf32, #tpu.memory_space<hbm>> -> memref<1024x128xf32, #tpu.memory_space<hbm>>
    tpu.enqueue_indirect_dma source(%dma_start3A_94 : memref<1024x128xf32, #tpu.memory_space<hbm>>) target(%dma_start3A_88 : memref<128x128xf32, #tpu.memory_space<vmem>>) offsets(%dma_start3A_91 : memref<128xi32, #tpu.memory_space<vmem>>) semaphore(%arg7 : memref<!tpu.dma_semaphore, #tpu.memory_space<semaphore_mem>>)
    %dma_start3A_95 = arith.constant 5 : i32
    %dma_start3A_96 = arith.constant 128 : i32
    %dma_start3A_97 = arith.constant 0 : i32
    %dma_start3A_98 = tpu.memref_slice %arg6[%dma_start3A_96, %dma_start3A_97] : memref<512x128xf32, #tpu.memory_space<vmem>> -> memref<128x128xf32, #tpu.memory_space<vmem>>
    %dma_start3A_99 = arith.constant 0 : i32
    %dma_start3A_100 = tpu.memref_slice %arg5[%dma_start3A_95, %dma_start3A_99] : memref<8x128xi32, #tpu.memory_space<vmem>> -> memref<1x128xi32, #tpu.memory_space<vmem>>
    %dma_start3A_101 = tpu.memref_squeeze %dma_start3A_100 : memref<1x128xi32, #tpu.memory_space<vmem>> -> memref<128xi32, #tpu.memory_space<vmem>>
    %dma_start3A_102 = arith.constant 0 : i32
    %dma_start3A_103 = arith.constant 0 : i32
    %dma_start3A_104 = tpu.memref_slice %arg2[%dma_start3A_102, %dma_start3A_103] : memref<1024x128xf32, #tpu.memory_space<hbm>> -> memref<1024x128xf32, #tpu.memory_space<hbm>>
    tpu.enqueue_indirect_dma source(%dma_start3A_104 : memref<1024x128xf32, #tpu.memory_space<hbm>>) target(%dma_start3A_98 : memref<128x128xf32, #tpu.memory_space<vmem>>) offsets(%dma_start3A_101 : memref<128xi32, #tpu.memory_space<vmem>>) semaphore(%arg7 : memref<!tpu.dma_semaphore, #tpu.memory_space<semaphore_mem>>)
    %dma_start3A_105 = arith.constant 6 : i32
    %dma_start3A_106 = arith.constant 256 : i32
    %dma_start3A_107 = arith.constant 0 : i32
    %dma_start3A_108 = tpu.memref_slice %arg6[%dma_start3A_106, %dma_start3A_107] : memref<512x128xf32, #tpu.memory_space<vmem>> -> memref<128x128xf32, #tpu.memory_space<vmem>>
    %dma_start3A_109 = arith.constant 0 : i32
    %dma_start3A_110 = tpu.memref_slice %arg5[%dma_start3A_105, %dma_start3A_109] : memref<8x128xi32, #tpu.memory_space<vmem>> -> memref<1x128xi32, #tpu.memory_space<vmem>>
    %dma_start3A_111 = tpu.memref_squeeze %dma_start3A_110 : memref<1x128xi32, #tpu.memory_space<vmem>> -> memref<128xi32, #tpu.memory_space<vmem>>
    %dma_start3A_112 = arith.constant 0 : i32
    %dma_start3A_113 = arith.constant 0 : i32
    %dma_start3A_114 = tpu.memref_slice %arg2[%dma_start3A_112, %dma_start3A_113] : memref<1024x128xf32, #tpu.memory_space<hbm>> -> memref<1024x128xf32, #tpu.memory_space<hbm>>
    tpu.enqueue_indirect_dma source(%dma_start3A_114 : memref<1024x128xf32, #tpu.memory_space<hbm>>) target(%dma_start3A_108 : memref<128x128xf32, #tpu.memory_space<vmem>>) offsets(%dma_start3A_111 : memref<128xi32, #tpu.memory_space<vmem>>) semaphore(%arg7 : memref<!tpu.dma_semaphore, #tpu.memory_space<semaphore_mem>>)
    %dma_start3A_115 = arith.constant 7 : i32
    %dma_start3A_116 = arith.constant 384 : i32
    %dma_start3A_117 = arith.constant 0 : i32
    %dma_start3A_118 = tpu.memref_slice %arg6[%dma_start3A_116, %dma_start3A_117] : memref<512x128xf32, #tpu.memory_space<vmem>> -> memref<128x128xf32, #tpu.memory_space<vmem>>
    %dma_start3A_119 = arith.constant 0 : i32
    %dma_start3A_120 = tpu.memref_slice %arg5[%dma_start3A_115, %dma_start3A_119] : memref<8x128xi32, #tpu.memory_space<vmem>> -> memref<1x128xi32, #tpu.memory_space<vmem>>
    %dma_start3A_121 = tpu.memref_squeeze %dma_start3A_120 : memref<1x128xi32, #tpu.memory_space<vmem>> -> memref<128xi32, #tpu.memory_space<vmem>>
    %dma_start3A_122 = arith.constant 0 : i32
    %dma_start3A_123 = arith.constant 0 : i32
    %dma_start3A_124 = tpu.memref_slice %arg2[%dma_start3A_122, %dma_start3A_123] : memref<1024x128xf32, #tpu.memory_space<hbm>> -> memref<1024x128xf32, #tpu.memory_space<hbm>>
    tpu.enqueue_indirect_dma source(%dma_start3A_124 : memref<1024x128xf32, #tpu.memory_space<hbm>>) target(%dma_start3A_118 : memref<128x128xf32, #tpu.memory_space<vmem>>) offsets(%dma_start3A_121 : memref<128xi32, #tpu.memory_space<vmem>>) semaphore(%arg7 : memref<!tpu.dma_semaphore, #tpu.memory_space<semaphore_mem>>)
    %dma_wait3A_125 = arith.constant 4 : i32
    %dma_wait3A_126 = arith.constant 0 : i32
    %dma_wait3A_127 = arith.constant 0 : i32
    %dma_wait3A_128 = tpu.memref_slice %arg6[%dma_wait3A_126, %dma_wait3A_127] : memref<512x128xf32, #tpu.memory_space<vmem>> -> memref<128x128xf32, #tpu.memory_space<vmem>>
    %dma_wait3A_129 = arith.constant 0 : i32
    %dma_wait3A_130 = tpu.memref_slice %arg5[%dma_wait3A_125, %dma_wait3A_129] : memref<8x128xi32, #tpu.memory_space<vmem>> -> memref<1x128xi32, #tpu.memory_space<vmem>>
    %dma_wait3A_131 = tpu.memref_squeeze %dma_wait3A_130 : memref<1x128xi32, #tpu.memory_space<vmem>> -> memref<128xi32, #tpu.memory_space<vmem>>
    %dma_wait3A_132 = arith.constant 0 : i32
    %dma_wait3A_133 = arith.constant 0 : i32
    %dma_wait3A_134 = tpu.memref_slice %arg2[%dma_wait3A_132, %dma_wait3A_133] : memref<1024x128xf32, #tpu.memory_space<hbm>> -> memref<1024x128xf32, #tpu.memory_space<hbm>>
    tpu.wait_indirect_dma semaphore(%arg7 : memref<!tpu.dma_semaphore, #tpu.memory_space<semaphore_mem>>) src(%dma_wait3A_134 : memref<1024x128xf32, #tpu.memory_space<hbm>>) dst(%dma_wait3A_128 : memref<128x128xf32, #tpu.memory_space<vmem>>)
    %dma_wait3A_135 = arith.constant 5 : i32
    %dma_wait3A_136 = arith.constant 128 : i32
    %dma_wait3A_137 = arith.constant 0 : i32
    %dma_wait3A_138 = tpu.memref_slice %arg6[%dma_wait3A_136, %dma_wait3A_137] : memref<512x128xf32, #tpu.memory_space<vmem>> -> memref<128x128xf32, #tpu.memory_space<vmem>>
    %dma_wait3A_139 = arith.constant 0 : i32
    %dma_wait3A_140 = tpu.memref_slice %arg5[%dma_wait3A_135, %dma_wait3A_139] : memref<8x128xi32, #tpu.memory_space<vmem>> -> memref<1x128xi32, #tpu.memory_space<vmem>>
    %dma_wait3A_141 = tpu.memref_squeeze %dma_wait3A_140 : memref<1x128xi32, #tpu.memory_space<vmem>> -> memref<128xi32, #tpu.memory_space<vmem>>
    %dma_wait3A_142 = arith.constant 0 : i32
    %dma_wait3A_143 = arith.constant 0 : i32
    %dma_wait3A_144 = tpu.memref_slice %arg2[%dma_wait3A_142, %dma_wait3A_143] : memref<1024x128xf32, #tpu.memory_space<hbm>> -> memref<1024x128xf32, #tpu.memory_space<hbm>>
    tpu.wait_indirect_dma semaphore(%arg7 : memref<!tpu.dma_semaphore, #tpu.memory_space<semaphore_mem>>) src(%dma_wait3A_144 : memref<1024x128xf32, #tpu.memory_space<hbm>>) dst(%dma_wait3A_138 : memref<128x128xf32, #tpu.memory_space<vmem>>)
    %dma_wait3A_145 = arith.constant 6 : i32
    %dma_wait3A_146 = arith.constant 256 : i32
    %dma_wait3A_147 = arith.constant 0 : i32
    %dma_wait3A_148 = tpu.memref_slice %arg6[%dma_wait3A_146, %dma_wait3A_147] : memref<512x128xf32, #tpu.memory_space<vmem>> -> memref<128x128xf32, #tpu.memory_space<vmem>>
    %dma_wait3A_149 = arith.constant 0 : i32
    %dma_wait3A_150 = tpu.memref_slice %arg5[%dma_wait3A_145, %dma_wait3A_149] : memref<8x128xi32, #tpu.memory_space<vmem>> -> memref<1x128xi32, #tpu.memory_space<vmem>>
    %dma_wait3A_151 = tpu.memref_squeeze %dma_wait3A_150 : memref<1x128xi32, #tpu.memory_space<vmem>> -> memref<128xi32, #tpu.memory_space<vmem>>
    %dma_wait3A_152 = arith.constant 0 : i32
    %dma_wait3A_153 = arith.constant 0 : i32
    %dma_wait3A_154 = tpu.memref_slice %arg2[%dma_wait3A_152, %dma_wait3A_153] : memref<1024x128xf32, #tpu.memory_space<hbm>> -> memref<1024x128xf32, #tpu.memory_space<hbm>>
    tpu.wait_indirect_dma semaphore(%arg7 : memref<!tpu.dma_semaphore, #tpu.memory_space<semaphore_mem>>) src(%dma_wait3A_154 : memref<1024x128xf32, #tpu.memory_space<hbm>>) dst(%dma_wait3A_148 : memref<128x128xf32, #tpu.memory_space<vmem>>)
    %dma_wait3A_155 = arith.constant 7 : i32
    %dma_wait3A_156 = arith.constant 384 : i32
    %dma_wait3A_157 = arith.constant 0 : i32
    %dma_wait3A_158 = tpu.memref_slice %arg6[%dma_wait3A_156, %dma_wait3A_157] : memref<512x128xf32, #tpu.memory_space<vmem>> -> memref<128x128xf32, #tpu.memory_space<vmem>>
    %dma_wait3A_159 = arith.constant 0 : i32
    %dma_wait3A_160 = tpu.memref_slice %arg5[%dma_wait3A_155, %dma_wait3A_159] : memref<8x128xi32, #tpu.memory_space<vmem>> -> memref<1x128xi32, #tpu.memory_space<vmem>>
    %dma_wait3A_161 = tpu.memref_squeeze %dma_wait3A_160 : memref<1x128xi32, #tpu.memory_space<vmem>> -> memref<128xi32, #tpu.memory_space<vmem>>
    %dma_wait3A_162 = arith.constant 0 : i32
    %dma_wait3A_163 = arith.constant 0 : i32
    %dma_wait3A_164 = tpu.memref_slice %arg2[%dma_wait3A_162, %dma_wait3A_163] : memref<1024x128xf32, #tpu.memory_space<hbm>> -> memref<1024x128xf32, #tpu.memory_space<hbm>>
    tpu.wait_indirect_dma semaphore(%arg7 : memref<!tpu.dma_semaphore, #tpu.memory_space<semaphore_mem>>) src(%dma_wait3A_164 : memref<1024x128xf32, #tpu.memory_space<hbm>>) dst(%dma_wait3A_158 : memref<128x128xf32, #tpu.memory_space<vmem>>)
    %add3A_165 = arith.constant 512 : i32
    %add3A_166 = arith.addi %mul3A_2, %add3A_165 : i32
    "tpu.region"() ({
      %run_scoped3A = tpu.sem_alloc : memref<!tpu.dma_semaphore, #tpu.memory_space<semaphore_mem>>
      %dma_start3A_167 = arith.constant 0 : i32
      %dma_start3A_168 = tpu.memref_slice %arg4[%add3A_166, %dma_start3A_167] : memref<32768x128xf32, #tpu.memory_space<hbm>> -> memref<512x128xf32, #tpu.memory_space<hbm>>
      %dma_start3A_169 = arith.constant 0 : i32
      %dma_start3A_170 = tpu.memref_slice %arg4[%add3A_166, %dma_start3A_169] : memref<32768x128xf32, #tpu.memory_space<hbm>> -> memref<512x128xf32, #tpu.memory_space<hbm>>
      tpu.enqueue_dma source(%arg6 : memref<512x128xf32, #tpu.memory_space<vmem>>) target(%dma_start3A_170 : memref<512x128xf32, #tpu.memory_space<hbm>>) target_semaphore(%run_scoped3A : memref<!tpu.dma_semaphore, #tpu.memory_space<semaphore_mem>>)
      %dma_wait3A_171 = arith.constant 0 : i32
      %dma_wait3A_172 = tpu.memref_slice %arg4[%add3A_166, %dma_wait3A_171] : memref<32768x128xf32, #tpu.memory_space<hbm>> -> memref<512x128xf32, #tpu.memory_space<hbm>>
      %dma_wait3A_173 = arith.constant 0 : i32
      %dma_wait3A_174 = tpu.memref_slice %arg4[%add3A_166, %dma_wait3A_173] : memref<32768x128xf32, #tpu.memory_space<hbm>> -> memref<512x128xf32, #tpu.memory_space<hbm>>
      tpu.wait_dma2 semaphore(%run_scoped3A : memref<!tpu.dma_semaphore, #tpu.memory_space<semaphore_mem>>) src(%arg6 : memref<512x128xf32, #tpu.memory_space<vmem>>) dst(%dma_wait3A_174 : memref<512x128xf32, #tpu.memory_space<hbm>>)
      tpu.yield
    }) : () -> ()
    return
  }
}

module attributes {stable_mosaic.version = 14 : i64} {
  func.func @_stage1_body(%arg0: i32, %arg1: i32, %arg2: memref<1x192x8192xf32, #tpu.memory_space<vmem>>, %arg3: memref<64x192xf32, #tpu.memory_space<vmem>>, %arg4: memref<64x1xf32, #tpu.memory_space<vmem>>, %arg5: memref<1024x64xf32, #tpu.memory_space<vmem>>, %arg6: memref<64x128xi32, #tpu.memory_space<vmem>>, %arg7: memref<1x1xf32, #tpu.memory_space<vmem>>, %arg8: memref<1024x128xf32, #tpu.memory_space<vmem>>, %arg9: memref<1024x1xf32, #tpu.memory_space<vmem>>) attributes {dimension_semantics = [#tpu.dimension_semantics<arbitrary>, #tpu.dimension_semantics<arbitrary>], iteration_bounds = array<i64: 2, 2>, scalar_prefetch = 0 : i64, scratch_operands = 1 : i64, tpu.core_type = #tpu.core_type<tc>, window_params = [{transform_indices = @transform_0, window_bounds = array<i64: 1, 192, 8192>}, {pipeline_mode = #tpu.pipeline_mode<synchronous>, transform_indices = @transform_1, window_bounds = array<i64: 64, 192>}, {pipeline_mode = #tpu.pipeline_mode<synchronous>, transform_indices = @transform_2, window_bounds = array<i64: 64, 1>}, {pipeline_mode = #tpu.pipeline_mode<synchronous>, transform_indices = @transform_3, window_bounds = array<i64: 1024, 64>}, {transform_indices = @transform_4, window_bounds = array<i64: 64, 128>}, {pipeline_mode = #tpu.pipeline_mode<synchronous>, transform_indices = @transform_5, window_bounds = array<i64: 1, 1>}, {pipeline_mode = #tpu.pipeline_mode<synchronous>, transform_indices = @transform_6, window_bounds = array<i64: 1024, 128>}]} {
    %eq3A = arith.constant 0 : i32
    %eq3A_0 = arith.cmpi eq, %arg0, %eq3A : i32
    %eq3A_1 = arith.constant 0 : i32
    %eq3A_2 = arith.cmpi eq, %arg1, %eq3A_1 : i32
    %and3A = arith.andi %eq3A_0, %eq3A_2 : i1
    %convert_element_type3A = arith.extui %and3A : i1 to i32
    %cond3A = arith.constant 0 : i32
    %cond3A_3 = arith.cmpi ne, %convert_element_type3A, %cond3A : i32
    scf.if %cond3A_3 {
      %get3A_429 = arith.constant 0 : index
      %get3A_430 = arith.constant 0 : index
      %get3A_431 = vector.load %arg5[%get3A_429, %get3A_430] : memref<1024x64xf32, #tpu.memory_space<vmem>>, vector<1024x64xf32>
      %mul3A_432 = arith.mulf %get3A_431, %get3A_431 : vector<1024x64xf32>
      %slice3A_433 = vector.extract_strided_slice %mul3A_432 {offsets = [0, 0], sizes = [1024, 8], strides = [1, 1]} : vector<1024x64xf32> to vector<1024x8xf32>
      %slice3A_434 = vector.extract_strided_slice %mul3A_432 {offsets = [0, 8], sizes = [1024, 8], strides = [1, 1]} : vector<1024x64xf32> to vector<1024x8xf32>
      %add3A_435 = arith.addf %slice3A_433, %slice3A_434 : vector<1024x8xf32>
      %slice3A_436 = vector.extract_strided_slice %mul3A_432 {offsets = [0, 16], sizes = [1024, 8], strides = [1, 1]} : vector<1024x64xf32> to vector<1024x8xf32>
      %add3A_437 = arith.addf %add3A_435, %slice3A_436 : vector<1024x8xf32>
      %slice3A_438 = vector.extract_strided_slice %mul3A_432 {offsets = [0, 24], sizes = [1024, 8], strides = [1, 1]} : vector<1024x64xf32> to vector<1024x8xf32>
      %add3A_439 = arith.addf %add3A_437, %slice3A_438 : vector<1024x8xf32>
      %slice3A_440 = vector.extract_strided_slice %mul3A_432 {offsets = [0, 32], sizes = [1024, 8], strides = [1, 1]} : vector<1024x64xf32> to vector<1024x8xf32>
      %add3A_441 = arith.addf %add3A_439, %slice3A_440 : vector<1024x8xf32>
      %slice3A_442 = vector.extract_strided_slice %mul3A_432 {offsets = [0, 40], sizes = [1024, 8], strides = [1, 1]} : vector<1024x64xf32> to vector<1024x8xf32>
      %add3A_443 = arith.addf %add3A_441, %slice3A_442 : vector<1024x8xf32>
      %slice3A_444 = vector.extract_strided_slice %mul3A_432 {offsets = [0, 48], sizes = [1024, 8], strides = [1, 1]} : vector<1024x64xf32> to vector<1024x8xf32>
      %add3A_445 = arith.addf %add3A_443, %slice3A_444 : vector<1024x8xf32>
      %slice3A_446 = vector.extract_strided_slice %mul3A_432 {offsets = [0, 56], sizes = [1024, 8], strides = [1, 1]} : vector<1024x64xf32> to vector<1024x8xf32>
      %add3A_447 = arith.addf %add3A_445, %slice3A_446 : vector<1024x8xf32>
      %slice3A_448 = vector.extract_strided_slice %add3A_447 {offsets = [0, 0], sizes = [1024, 4], strides = [1, 1]} : vector<1024x8xf32> to vector<1024x4xf32>
      %slice3A_449 = vector.extract_strided_slice %add3A_447 {offsets = [0, 4], sizes = [1024, 4], strides = [1, 1]} : vector<1024x8xf32> to vector<1024x4xf32>
      %add3A_450 = arith.addf %slice3A_448, %slice3A_449 : vector<1024x4xf32>
      %slice3A_451 = vector.extract_strided_slice %add3A_450 {offsets = [0, 0], sizes = [1024, 2], strides = [1, 1]} : vector<1024x4xf32> to vector<1024x2xf32>
      %slice3A_452 = vector.extract_strided_slice %add3A_450 {offsets = [0, 2], sizes = [1024, 2], strides = [1, 1]} : vector<1024x4xf32> to vector<1024x2xf32>
      %add3A_453 = arith.addf %slice3A_451, %slice3A_452 : vector<1024x2xf32>
      %slice3A_454 = vector.extract_strided_slice %add3A_453 {offsets = [0, 0], sizes = [1024, 1], strides = [1, 1]} : vector<1024x2xf32> to vector<1024x1xf32>
      %slice3A_455 = vector.extract_strided_slice %add3A_453 {offsets = [0, 1], sizes = [1024, 1], strides = [1, 1]} : vector<1024x2xf32> to vector<1024x1xf32>
      %add3A_456 = arith.addf %slice3A_454, %slice3A_455 : vector<1024x1xf32>
      %swap3A_457 = arith.constant 0 : index
      %swap3A_458 = arith.constant 0 : index
      %swap3A_459 = vector.load %arg9[%swap3A_457, %swap3A_458] : memref<1024x1xf32, #tpu.memory_space<vmem>>, vector<1024x1xf32>
      tpu.vector_store %arg9[%swap3A_457, %swap3A_458], %add3A_456 {strides = array<i32>} : memref<1024x1xf32, #tpu.memory_space<vmem>>, vector<1024x1xf32>,
      %broadcast_in_dim3A_460 = arith.constant 0.000000e+00 : f32
      %broadcast_in_dim3A_461 = vector.broadcast %broadcast_in_dim3A_460 : f32 to vector<1024x64xf32>
      %concatenate3A = tpu.concatenate %get3A_431, %broadcast_in_dim3A_461 in 1 : vector<1024x64xf32>, vector<1024x64xf32> -> vector<1024x128xf32>
      %swap3A_462 = arith.constant 0 : index
      %swap3A_463 = arith.constant 0 : index
      %swap3A_464 = vector.load %arg8[%swap3A_462, %swap3A_463] : memref<1024x128xf32, #tpu.memory_space<vmem>>, vector<1024x128xf32>
      tpu.vector_store %arg8[%swap3A_462, %swap3A_463], %concatenate3A {strides = array<i32>} : memref<1024x128xf32, #tpu.memory_space<vmem>>, vector<1024x128xf32>,
      %broadcast_in_dim3A_465 = arith.constant 0.000000e+00 : f32
      %broadcast_in_dim3A_466 = vector.broadcast %broadcast_in_dim3A_465 : f32 to vector<1x1xf32>
      %swap3A_467 = arith.constant 0 : index
      %swap3A_468 = arith.constant 0 : index
      %swap3A_469 = vector.load %arg7[%swap3A_467, %swap3A_468] : memref<1x1xf32, #tpu.memory_space<vmem>>, vector<1x1xf32>
      tpu.vector_store %arg7[%swap3A_467, %swap3A_468], %broadcast_in_dim3A_466 {strides = array<i32>} : memref<1x1xf32, #tpu.memory_space<vmem>>, vector<1x1xf32>,
    } else {
    }
    %get3A = arith.constant 0 : index
    %get3A_4 = arith.constant 0 : index
    %get3A_5 = vector.load %arg3[%get3A, %get3A_4] : memref<64x192xf32, #tpu.memory_space<vmem>>, vector<64x192xf32>
    %get3A_6 = arith.constant 0 : index
    %get3A_7 = arith.constant 0 : index
    %get3A_8 = arith.constant 0 : index
    %get3A_9 = vector.load %arg2[%get3A_6, %get3A_7, %get3A_8] : memref<1x192x8192xf32, #tpu.memory_space<vmem>>, vector<1x192x8192xf32>
    %get3A_10 = vector.shape_cast %get3A_9 : vector<1x192x8192xf32> to vector<192x8192xf32>
    %dot_general3A = arith.constant dense<0.000000e+00> : vector<64x8192xf32>
    %dot_general3A_11 = tpu.matmul %get3A_5, %get3A_10, %dot_general3A {dimension_numbers = #tpu.dot_dimension_numbers<[1], [0], [0], [1], [0, 0, 1, 1], [], []>, transpose_lhs_hint = false} : vector<64x192xf32>, vector<192x8192xf32>, vector<64x8192xf32> -> vector<64x8192xf32>
    %get3A_12 = arith.constant 0 : index
    %get3A_13 = arith.constant 0 : index
    %get3A_14 = vector.load %arg4[%get3A_12, %get3A_13] : memref<64x1xf32, #tpu.memory_space<vmem>>, vector<64x1xf32>
    %add3A = vector.broadcast %get3A_14 : vector<64x1xf32> to vector<64x8192xf32>
    %add3A_15 = arith.addf %dot_general3A_11, %add3A : vector<64x8192xf32>
    %get3A_16 = arith.constant 0 : index
    %get3A_17 = arith.constant 0 : index
    %get3A_18 = vector.load %arg5[%get3A_16, %get3A_17] : memref<1024x64xf32, #tpu.memory_space<vmem>>, vector<1024x64xf32>
    %get3A_19 = arith.constant 0 : index
    %get3A_20 = arith.constant 0 : index
    %get3A_21 = vector.load %arg9[%get3A_19, %get3A_20] : memref<1024x1xf32, #tpu.memory_space<vmem>>, vector<1024x1xf32>
    %mul3A = arith.mulf %add3A_15, %add3A_15 : vector<64x8192xf32>
    %slice3A = vector.extract_strided_slice %mul3A {offsets = [0, 0], sizes = [1, 8192], strides = [1, 1]} : vector<64x8192xf32> to vector<1x8192xf32>
    %slice3A_22 = vector.extract_strided_slice %mul3A {offsets = [1, 0], sizes = [1, 8192], strides = [1, 1]} : vector<64x8192xf32> to vector<1x8192xf32>
    %slice3A_23 = vector.extract_strided_slice %mul3A {offsets = [2, 0], sizes = [1, 8192], strides = [1, 1]} : vector<64x8192xf32> to vector<1x8192xf32>
    %slice3A_24 = vector.extract_strided_slice %mul3A {offsets = [3, 0], sizes = [1, 8192], strides = [1, 1]} : vector<64x8192xf32> to vector<1x8192xf32>
    %slice3A_25 = vector.extract_strided_slice %mul3A {offsets = [4, 0], sizes = [1, 8192], strides = [1, 1]} : vector<64x8192xf32> to vector<1x8192xf32>
    %slice3A_26 = vector.extract_strided_slice %mul3A {offsets = [5, 0], sizes = [1, 8192], strides = [1, 1]} : vector<64x8192xf32> to vector<1x8192xf32>
    %slice3A_27 = vector.extract_strided_slice %mul3A {offsets = [6, 0], sizes = [1, 8192], strides = [1, 1]} : vector<64x8192xf32> to vector<1x8192xf32>
    %slice3A_28 = vector.extract_strided_slice %mul3A {offsets = [7, 0], sizes = [1, 8192], strides = [1, 1]} : vector<64x8192xf32> to vector<1x8192xf32>
    %add3A_29 = arith.addf %slice3A, %slice3A_22 : vector<1x8192xf32>
    %add3A_30 = arith.addf %slice3A_23, %slice3A_24 : vector<1x8192xf32>
    %add3A_31 = arith.addf %slice3A_25, %slice3A_26 : vector<1x8192xf32>
    %add3A_32 = arith.addf %slice3A_27, %slice3A_28 : vector<1x8192xf32>
    %add3A_33 = arith.addf %add3A_29, %add3A_30 : vector<1x8192xf32>
    %add3A_34 = arith.addf %add3A_31, %add3A_32 : vector<1x8192xf32>
    %add3A_35 = arith.addf %add3A_33, %add3A_34 : vector<1x8192xf32>
    %slice3A_36 = vector.extract_strided_slice %mul3A {offsets = [8, 0], sizes = [1, 8192], strides = [1, 1]} : vector<64x8192xf32> to vector<1x8192xf32>
    %slice3A_37 = vector.extract_strided_slice %mul3A {offsets = [9, 0], sizes = [1, 8192], strides = [1, 1]} : vector<64x8192xf32> to vector<1x8192xf32>
    %slice3A_38 = vector.extract_strided_slice %mul3A {offsets = [10, 0], sizes = [1, 8192], strides = [1, 1]} : vector<64x8192xf32> to vector<1x8192xf32>
    %slice3A_39 = vector.extract_strided_slice %mul3A {offsets = [11, 0], sizes = [1, 8192], strides = [1, 1]} : vector<64x8192xf32> to vector<1x8192xf32>
    %slice3A_40 = vector.extract_strided_slice %mul3A {offsets = [12, 0], sizes = [1, 8192], strides = [1, 1]} : vector<64x8192xf32> to vector<1x8192xf32>
    %slice3A_41 = vector.extract_strided_slice %mul3A {offsets = [13, 0], sizes = [1, 8192], strides = [1, 1]} : vector<64x8192xf32> to vector<1x8192xf32>
    %slice3A_42 = vector.extract_strided_slice %mul3A {offsets = [14, 0], sizes = [1, 8192], strides = [1, 1]} : vector<64x8192xf32> to vector<1x8192xf32>
    %slice3A_43 = vector.extract_strided_slice %mul3A {offsets = [15, 0], sizes = [1, 8192], strides = [1, 1]} : vector<64x8192xf32> to vector<1x8192xf32>
    %add3A_44 = arith.addf %slice3A_36, %slice3A_37 : vector<1x8192xf32>
    %add3A_45 = arith.addf %slice3A_38, %slice3A_39 : vector<1x8192xf32>
    %add3A_46 = arith.addf %slice3A_40, %slice3A_41 : vector<1x8192xf32>
    %add3A_47 = arith.addf %slice3A_42, %slice3A_43 : vector<1x8192xf32>
    %add3A_48 = arith.addf %add3A_44, %add3A_45 : vector<1x8192xf32>
    %add3A_49 = arith.addf %add3A_46, %add3A_47 : vector<1x8192xf32>
    %add3A_50 = arith.addf %add3A_48, %add3A_49 : vector<1x8192xf32>
    %slice3A_51 = vector.extract_strided_slice %mul3A {offsets = [16, 0], sizes = [1, 8192], strides = [1, 1]} : vector<64x8192xf32> to vector<1x8192xf32>
    %slice3A_52 = vector.extract_strided_slice %mul3A {offsets = [17, 0], sizes = [1, 8192], strides = [1, 1]} : vector<64x8192xf32> to vector<1x8192xf32>
    %slice3A_53 = vector.extract_strided_slice %mul3A {offsets = [18, 0], sizes = [1, 8192], strides = [1, 1]} : vector<64x8192xf32> to vector<1x8192xf32>
    %slice3A_54 = vector.extract_strided_slice %mul3A {offsets = [19, 0], sizes = [1, 8192], strides = [1, 1]} : vector<64x8192xf32> to vector<1x8192xf32>
    %slice3A_55 = vector.extract_strided_slice %mul3A {offsets = [20, 0], sizes = [1, 8192], strides = [1, 1]} : vector<64x8192xf32> to vector<1x8192xf32>
    %slice3A_56 = vector.extract_strided_slice %mul3A {offsets = [21, 0], sizes = [1, 8192], strides = [1, 1]} : vector<64x8192xf32> to vector<1x8192xf32>
    %slice3A_57 = vector.extract_strided_slice %mul3A {offsets = [22, 0], sizes = [1, 8192], strides = [1, 1]} : vector<64x8192xf32> to vector<1x8192xf32>
    %slice3A_58 = vector.extract_strided_slice %mul3A {offsets = [23, 0], sizes = [1, 8192], strides = [1, 1]} : vector<64x8192xf32> to vector<1x8192xf32>
    %add3A_59 = arith.addf %slice3A_51, %slice3A_52 : vector<1x8192xf32>
    %add3A_60 = arith.addf %slice3A_53, %slice3A_54 : vector<1x8192xf32>
    %add3A_61 = arith.addf %slice3A_55, %slice3A_56 : vector<1x8192xf32>
    %add3A_62 = arith.addf %slice3A_57, %slice3A_58 : vector<1x8192xf32>
    %add3A_63 = arith.addf %add3A_59, %add3A_60 : vector<1x8192xf32>
    %add3A_64 = arith.addf %add3A_61, %add3A_62 : vector<1x8192xf32>
    %add3A_65 = arith.addf %add3A_63, %add3A_64 : vector<1x8192xf32>
    %slice3A_66 = vector.extract_strided_slice %mul3A {offsets = [24, 0], sizes = [1, 8192], strides = [1, 1]} : vector<64x8192xf32> to vector<1x8192xf32>
    %slice3A_67 = vector.extract_strided_slice %mul3A {offsets = [25, 0], sizes = [1, 8192], strides = [1, 1]} : vector<64x8192xf32> to vector<1x8192xf32>
    %slice3A_68 = vector.extract_strided_slice %mul3A {offsets = [26, 0], sizes = [1, 8192], strides = [1, 1]} : vector<64x8192xf32> to vector<1x8192xf32>
    %slice3A_69 = vector.extract_strided_slice %mul3A {offsets = [27, 0], sizes = [1, 8192], strides = [1, 1]} : vector<64x8192xf32> to vector<1x8192xf32>
    %slice3A_70 = vector.extract_strided_slice %mul3A {offsets = [28, 0], sizes = [1, 8192], strides = [1, 1]} : vector<64x8192xf32> to vector<1x8192xf32>
    %slice3A_71 = vector.extract_strided_slice %mul3A {offsets = [29, 0], sizes = [1, 8192], strides = [1, 1]} : vector<64x8192xf32> to vector<1x8192xf32>
    %slice3A_72 = vector.extract_strided_slice %mul3A {offsets = [30, 0], sizes = [1, 8192], strides = [1, 1]} : vector<64x8192xf32> to vector<1x8192xf32>
    %slice3A_73 = vector.extract_strided_slice %mul3A {offsets = [31, 0], sizes = [1, 8192], strides = [1, 1]} : vector<64x8192xf32> to vector<1x8192xf32>
    %add3A_74 = arith.addf %slice3A_66, %slice3A_67 : vector<1x8192xf32>
    %add3A_75 = arith.addf %slice3A_68, %slice3A_69 : vector<1x8192xf32>
    %add3A_76 = arith.addf %slice3A_70, %slice3A_71 : vector<1x8192xf32>
    %add3A_77 = arith.addf %slice3A_72, %slice3A_73 : vector<1x8192xf32>
    %add3A_78 = arith.addf %add3A_74, %add3A_75 : vector<1x8192xf32>
    %add3A_79 = arith.addf %add3A_76, %add3A_77 : vector<1x8192xf32>
    %add3A_80 = arith.addf %add3A_78, %add3A_79 : vector<1x8192xf32>
    %slice3A_81 = vector.extract_strided_slice %mul3A {offsets = [32, 0], sizes = [1, 8192], strides = [1, 1]} : vector<64x8192xf32> to vector<1x8192xf32>
    %slice3A_82 = vector.extract_strided_slice %mul3A {offsets = [33, 0], sizes = [1, 8192], strides = [1, 1]} : vector<64x8192xf32> to vector<1x8192xf32>
    %slice3A_83 = vector.extract_strided_slice %mul3A {offsets = [34, 0], sizes = [1, 8192], strides = [1, 1]} : vector<64x8192xf32> to vector<1x8192xf32>
    %slice3A_84 = vector.extract_strided_slice %mul3A {offsets = [35, 0], sizes = [1, 8192], strides = [1, 1]} : vector<64x8192xf32> to vector<1x8192xf32>
    %slice3A_85 = vector.extract_strided_slice %mul3A {offsets = [36, 0], sizes = [1, 8192], strides = [1, 1]} : vector<64x8192xf32> to vector<1x8192xf32>
    %slice3A_86 = vector.extract_strided_slice %mul3A {offsets = [37, 0], sizes = [1, 8192], strides = [1, 1]} : vector<64x8192xf32> to vector<1x8192xf32>
    %slice3A_87 = vector.extract_strided_slice %mul3A {offsets = [38, 0], sizes = [1, 8192], strides = [1, 1]} : vector<64x8192xf32> to vector<1x8192xf32>
    %slice3A_88 = vector.extract_strided_slice %mul3A {offsets = [39, 0], sizes = [1, 8192], strides = [1, 1]} : vector<64x8192xf32> to vector<1x8192xf32>
    %add3A_89 = arith.addf %slice3A_81, %slice3A_82 : vector<1x8192xf32>
    %add3A_90 = arith.addf %slice3A_83, %slice3A_84 : vector<1x8192xf32>
    %add3A_91 = arith.addf %slice3A_85, %slice3A_86 : vector<1x8192xf32>
    %add3A_92 = arith.addf %slice3A_87, %slice3A_88 : vector<1x8192xf32>
    %add3A_93 = arith.addf %add3A_89, %add3A_90 : vector<1x8192xf32>
    %add3A_94 = arith.addf %add3A_91, %add3A_92 : vector<1x8192xf32>
    %add3A_95 = arith.addf %add3A_93, %add3A_94 : vector<1x8192xf32>
    %slice3A_96 = vector.extract_strided_slice %mul3A {offsets = [40, 0], sizes = [1, 8192], strides = [1, 1]} : vector<64x8192xf32> to vector<1x8192xf32>
    %slice3A_97 = vector.extract_strided_slice %mul3A {offsets = [41, 0], sizes = [1, 8192], strides = [1, 1]} : vector<64x8192xf32> to vector<1x8192xf32>
    %slice3A_98 = vector.extract_strided_slice %mul3A {offsets = [42, 0], sizes = [1, 8192], strides = [1, 1]} : vector<64x8192xf32> to vector<1x8192xf32>
    %slice3A_99 = vector.extract_strided_slice %mul3A {offsets = [43, 0], sizes = [1, 8192], strides = [1, 1]} : vector<64x8192xf32> to vector<1x8192xf32>
    %slice3A_100 = vector.extract_strided_slice %mul3A {offsets = [44, 0], sizes = [1, 8192], strides = [1, 1]} : vector<64x8192xf32> to vector<1x8192xf32>
    %slice3A_101 = vector.extract_strided_slice %mul3A {offsets = [45, 0], sizes = [1, 8192], strides = [1, 1]} : vector<64x8192xf32> to vector<1x8192xf32>
    %slice3A_102 = vector.extract_strided_slice %mul3A {offsets = [46, 0], sizes = [1, 8192], strides = [1, 1]} : vector<64x8192xf32> to vector<1x8192xf32>
    %slice3A_103 = vector.extract_strided_slice %mul3A {offsets = [47, 0], sizes = [1, 8192], strides = [1, 1]} : vector<64x8192xf32> to vector<1x8192xf32>
    %add3A_104 = arith.addf %slice3A_96, %slice3A_97 : vector<1x8192xf32>
    %add3A_105 = arith.addf %slice3A_98, %slice3A_99 : vector<1x8192xf32>
    %add3A_106 = arith.addf %slice3A_100, %slice3A_101 : vector<1x8192xf32>
    %add3A_107 = arith.addf %slice3A_102, %slice3A_103 : vector<1x8192xf32>
    %add3A_108 = arith.addf %add3A_104, %add3A_105 : vector<1x8192xf32>
    %add3A_109 = arith.addf %add3A_106, %add3A_107 : vector<1x8192xf32>
    %add3A_110 = arith.addf %add3A_108, %add3A_109 : vector<1x8192xf32>
    %slice3A_111 = vector.extract_strided_slice %mul3A {offsets = [48, 0], sizes = [1, 8192], strides = [1, 1]} : vector<64x8192xf32> to vector<1x8192xf32>
    %slice3A_112 = vector.extract_strided_slice %mul3A {offsets = [49, 0], sizes = [1, 8192], strides = [1, 1]} : vector<64x8192xf32> to vector<1x8192xf32>
    %slice3A_113 = vector.extract_strided_slice %mul3A {offsets = [50, 0], sizes = [1, 8192], strides = [1, 1]} : vector<64x8192xf32> to vector<1x8192xf32>
    %slice3A_114 = vector.extract_strided_slice %mul3A {offsets = [51, 0], sizes = [1, 8192], strides = [1, 1]} : vector<64x8192xf32> to vector<1x8192xf32>
    %slice3A_115 = vector.extract_strided_slice %mul3A {offsets = [52, 0], sizes = [1, 8192], strides = [1, 1]} : vector<64x8192xf32> to vector<1x8192xf32>
    %slice3A_116 = vector.extract_strided_slice %mul3A {offsets = [53, 0], sizes = [1, 8192], strides = [1, 1]} : vector<64x8192xf32> to vector<1x8192xf32>
    %slice3A_117 = vector.extract_strided_slice %mul3A {offsets = [54, 0], sizes = [1, 8192], strides = [1, 1]} : vector<64x8192xf32> to vector<1x8192xf32>
    %slice3A_118 = vector.extract_strided_slice %mul3A {offsets = [55, 0], sizes = [1, 8192], strides = [1, 1]} : vector<64x8192xf32> to vector<1x8192xf32>
    %add3A_119 = arith.addf %slice3A_111, %slice3A_112 : vector<1x8192xf32>
    %add3A_120 = arith.addf %slice3A_113, %slice3A_114 : vector<1x8192xf32>
    %add3A_121 = arith.addf %slice3A_115, %slice3A_116 : vector<1x8192xf32>
    %add3A_122 = arith.addf %slice3A_117, %slice3A_118 : vector<1x8192xf32>
    %add3A_123 = arith.addf %add3A_119, %add3A_120 : vector<1x8192xf32>
    %add3A_124 = arith.addf %add3A_121, %add3A_122 : vector<1x8192xf32>
    %add3A_125 = arith.addf %add3A_123, %add3A_124 : vector<1x8192xf32>
    %slice3A_126 = vector.extract_strided_slice %mul3A {offsets = [56, 0], sizes = [1, 8192], strides = [1, 1]} : vector<64x8192xf32> to vector<1x8192xf32>
    %slice3A_127 = vector.extract_strided_slice %mul3A {offsets = [57, 0], sizes = [1, 8192], strides = [1, 1]} : vector<64x8192xf32> to vector<1x8192xf32>
    %slice3A_128 = vector.extract_strided_slice %mul3A {offsets = [58, 0], sizes = [1, 8192], strides = [1, 1]} : vector<64x8192xf32> to vector<1x8192xf32>
    %slice3A_129 = vector.extract_strided_slice %mul3A {offsets = [59, 0], sizes = [1, 8192], strides = [1, 1]} : vector<64x8192xf32> to vector<1x8192xf32>
    %slice3A_130 = vector.extract_strided_slice %mul3A {offsets = [60, 0], sizes = [1, 8192], strides = [1, 1]} : vector<64x8192xf32> to vector<1x8192xf32>
    %slice3A_131 = vector.extract_strided_slice %mul3A {offsets = [61, 0], sizes = [1, 8192], strides = [1, 1]} : vector<64x8192xf32> to vector<1x8192xf32>
    %slice3A_132 = vector.extract_strided_slice %mul3A {offsets = [62, 0], sizes = [1, 8192], strides = [1, 1]} : vector<64x8192xf32> to vector<1x8192xf32>
    %slice3A_133 = vector.extract_strided_slice %mul3A {offsets = [63, 0], sizes = [1, 8192], strides = [1, 1]} : vector<64x8192xf32> to vector<1x8192xf32>
    %add3A_134 = arith.addf %slice3A_126, %slice3A_127 : vector<1x8192xf32>
    %add3A_135 = arith.addf %slice3A_128, %slice3A_129 : vector<1x8192xf32>
    %add3A_136 = arith.addf %slice3A_130, %slice3A_131 : vector<1x8192xf32>
    %add3A_137 = arith.addf %slice3A_132, %slice3A_133 : vector<1x8192xf32>
    %add3A_138 = arith.addf %add3A_134, %add3A_135 : vector<1x8192xf32>
    %add3A_139 = arith.addf %add3A_136, %add3A_137 : vector<1x8192xf32>
    %add3A_140 = arith.addf %add3A_138, %add3A_139 : vector<1x8192xf32>
    %add3A_141 = arith.addf %add3A_35, %add3A_50 : vector<1x8192xf32>
    %add3A_142 = arith.addf %add3A_141, %add3A_65 : vector<1x8192xf32>
    %add3A_143 = arith.addf %add3A_142, %add3A_80 : vector<1x8192xf32>
    %add3A_144 = arith.addf %add3A_143, %add3A_95 : vector<1x8192xf32>
    %add3A_145 = arith.addf %add3A_144, %add3A_110 : vector<1x8192xf32>
    %add3A_146 = arith.addf %add3A_145, %add3A_125 : vector<1x8192xf32>
    %add3A_147 = arith.addf %add3A_146, %add3A_140 : vector<1x8192xf32>
    %dot_general3A_148 = arith.constant dense<0.000000e+00> : vector<1024x8192xf32>
    %dot_general3A_149 = tpu.matmul %get3A_18, %add3A_15, %dot_general3A_148 {dimension_numbers = #tpu.dot_dimension_numbers<[1], [0], [0], [1], [0, 0, 1, 1], [], []>, transpose_lhs_hint = false} : vector<1024x64xf32>, vector<64x8192xf32>, vector<1024x8192xf32> -> vector<1024x8192xf32>
    %add3A_150 = vector.broadcast %add3A_147 : vector<1x8192xf32> to vector<1024x8192xf32>
    %add3A_151 = vector.broadcast %get3A_21 : vector<1024x1xf32> to vector<1024x8192xf32>
    %add3A_152 = arith.addf %add3A_150, %add3A_151 : vector<1024x8192xf32>
    %mul3A_153 = arith.constant 2.000000e+00 : f32
    %mul3A_154 = vector.broadcast %mul3A_153 : f32 to vector<1024x8192xf32>
    %mul3A_155 = arith.mulf %mul3A_154, %dot_general3A_149 : vector<1024x8192xf32>
    %sub3A = arith.subf %add3A_152, %mul3A_155 : vector<1024x8192xf32>
    %reduce_min3A = arith.constant dense<0x7F800000> : vector<8192xf32>
    %reduce_min3A_156 = vector.multi_reduction <minimumf>, %sub3A, %reduce_min3A [0] : vector<1024x8192xf32> to vector<8192xf32>
    %broadcast_in_dim3A = vector.shape_cast %reduce_min3A_156 : vector<8192xf32> to vector<1x8192xf32>
    %iota3A = tpu.iota {dimensions = array<i32: 0>} : vector<1024x8192xi32>
    %eq3A_157 = vector.broadcast %broadcast_in_dim3A : vector<1x8192xf32> to vector<1024x8192xf32>
    %eq3A_158 = arith.cmpf oeq, %sub3A, %eq3A_157 : vector<1024x8192xf32>
    %jit3A = arith.constant 1024 : i32
    %broadcast_in_dim3A_159 = vector.broadcast %jit3A : i32 to vector<1024x8192xi32>
    %select_n3A = arith.select %eq3A_158, %iota3A, %broadcast_in_dim3A_159 : vector<1024x8192xi1>, vector<1024x8192xi32>
    %reduce_min3A_160 = arith.constant dense<2147483647> : vector<8192xi32>
    %reduce_min3A_161 = vector.multi_reduction <minsi>, %select_n3A, %reduce_min3A_160 [0] : vector<1024x8192xi32> to vector<8192xi32>
    %broadcast_in_dim3A_162 = vector.shape_cast %reduce_min3A_161 : vector<8192xi32> to vector<1x8192xi32>
    %slice3A_163 = vector.extract_strided_slice %broadcast_in_dim3A_162 {offsets = [0, 0], sizes = [1, 128], strides = [1, 1]} : vector<1x8192xi32> to vector<1x128xi32>
    %swap3A = arith.constant 0 : index
    %swap3A_164 = arith.constant 0 : index
    %swap3A_165 = vector.load %arg6[%swap3A, %swap3A_164] : memref<64x128xi32, #tpu.memory_space<vmem>>, vector<1x128xi32>
    tpu.vector_store %arg6[%swap3A, %swap3A_164], %slice3A_163 {strides = array<i32>} : memref<64x128xi32, #tpu.memory_space<vmem>>, vector<1x128xi32>,
    %slice3A_166 = vector.extract_strided_slice %broadcast_in_dim3A_162 {offsets = [0, 128], sizes = [1, 128], strides = [1, 1]} : vector<1x8192xi32> to vector<1x128xi32>
    %swap3A_167 = arith.constant 1 : index
    %swap3A_168 = arith.constant 0 : index
    %swap3A_169 = vector.load %arg6[%swap3A_167, %swap3A_168] : memref<64x128xi32, #tpu.memory_space<vmem>>, vector<1x128xi32>
    tpu.vector_store %arg6[%swap3A_167, %swap3A_168], %slice3A_166 {strides = array<i32>} : memref<64x128xi32, #tpu.memory_space<vmem>>, vector<1x128xi32>,
    %slice3A_170 = vector.extract_strided_slice %broadcast_in_dim3A_162 {offsets = [0, 256], sizes = [1, 128], strides = [1, 1]} : vector<1x8192xi32> to vector<1x128xi32>
    %swap3A_171 = arith.constant 2 : index
    %swap3A_172 = arith.constant 0 : index
    %swap3A_173 = vector.load %arg6[%swap3A_171, %swap3A_172] : memref<64x128xi32, #tpu.memory_space<vmem>>, vector<1x128xi32>
    tpu.vector_store %arg6[%swap3A_171, %swap3A_172], %slice3A_170 {strides = array<i32>} : memref<64x128xi32, #tpu.memory_space<vmem>>, vector<1x128xi32>,
    %slice3A_174 = vector.extract_strided_slice %broadcast_in_dim3A_162 {offsets = [0, 384], sizes = [1, 128], strides = [1, 1]} : vector<1x8192xi32> to vector<1x128xi32>
    %swap3A_175 = arith.constant 3 : index
    %swap3A_176 = arith.constant 0 : index
    %swap3A_177 = vector.load %arg6[%swap3A_175, %swap3A_176] : memref<64x128xi32, #tpu.memory_space<vmem>>, vector<1x128xi32>
    tpu.vector_store %arg6[%swap3A_175, %swap3A_176], %slice3A_174 {strides = array<i32>} : memref<64x128xi32, #tpu.memory_space<vmem>>, vector<1x128xi32>,
    %slice3A_178 = vector.extract_strided_slice %broadcast_in_dim3A_162 {offsets = [0, 512], sizes = [1, 128], strides = [1, 1]} : vector<1x8192xi32> to vector<1x128xi32>
    %swap3A_179 = arith.constant 4 : index
    %swap3A_180 = arith.constant 0 : index
    %swap3A_181 = vector.load %arg6[%swap3A_179, %swap3A_180] : memref<64x128xi32, #tpu.memory_space<vmem>>, vector<1x128xi32>
    tpu.vector_store %arg6[%swap3A_179, %swap3A_180], %slice3A_178 {strides = array<i32>} : memref<64x128xi32, #tpu.memory_space<vmem>>, vector<1x128xi32>,
    %slice3A_182 = vector.extract_strided_slice %broadcast_in_dim3A_162 {offsets = [0, 640], sizes = [1, 128], strides = [1, 1]} : vector<1x8192xi32> to vector<1x128xi32>
    %swap3A_183 = arith.constant 5 : index
    %swap3A_184 = arith.constant 0 : index
    %swap3A_185 = vector.load %arg6[%swap3A_183, %swap3A_184] : memref<64x128xi32, #tpu.memory_space<vmem>>, vector<1x128xi32>
    tpu.vector_store %arg6[%swap3A_183, %swap3A_184], %slice3A_182 {strides = array<i32>} : memref<64x128xi32, #tpu.memory_space<vmem>>, vector<1x128xi32>,
    %slice3A_186 = vector.extract_strided_slice %broadcast_in_dim3A_162 {offsets = [0, 768], sizes = [1, 128], strides = [1, 1]} : vector<1x8192xi32> to vector<1x128xi32>
    %swap3A_187 = arith.constant 6 : index
    %swap3A_188 = arith.constant 0 : index
    %swap3A_189 = vector.load %arg6[%swap3A_187, %swap3A_188] : memref<64x128xi32, #tpu.memory_space<vmem>>, vector<1x128xi32>
    tpu.vector_store %arg6[%swap3A_187, %swap3A_188], %slice3A_186 {strides = array<i32>} : memref<64x128xi32, #tpu.memory_space<vmem>>, vector<1x128xi32>,
    %slice3A_190 = vector.extract_strided_slice %broadcast_in_dim3A_162 {offsets = [0, 896], sizes = [1, 128], strides = [1, 1]} : vector<1x8192xi32> to vector<1x128xi32>
    %swap3A_191 = arith.constant 7 : index
    %swap3A_192 = arith.constant 0 : index
    %swap3A_193 = vector.load %arg6[%swap3A_191, %swap3A_192] : memref<64x128xi32, #tpu.memory_space<vmem>>, vector<1x128xi32>
    tpu.vector_store %arg6[%swap3A_191, %swap3A_192], %slice3A_190 {strides = array<i32>} : memref<64x128xi32, #tpu.memory_space<vmem>>, vector<1x128xi32>,
    %slice3A_194 = vector.extract_strided_slice %broadcast_in_dim3A_162 {offsets = [0, 1024], sizes = [1, 128], strides = [1, 1]} : vector<1x8192xi32> to vector<1x128xi32>
    %swap3A_195 = arith.constant 8 : index
    %swap3A_196 = arith.constant 0 : index
    %swap3A_197 = vector.load %arg6[%swap3A_195, %swap3A_196] : memref<64x128xi32, #tpu.memory_space<vmem>>, vector<1x128xi32>
    tpu.vector_store %arg6[%swap3A_195, %swap3A_196], %slice3A_194 {strides = array<i32>} : memref<64x128xi32, #tpu.memory_space<vmem>>, vector<1x128xi32>,
    %slice3A_198 = vector.extract_strided_slice %broadcast_in_dim3A_162 {offsets = [0, 1152], sizes = [1, 128], strides = [1, 1]} : vector<1x8192xi32> to vector<1x128xi32>
    %swap3A_199 = arith.constant 9 : index
    %swap3A_200 = arith.constant 0 : index
    %swap3A_201 = vector.load %arg6[%swap3A_199, %swap3A_200] : memref<64x128xi32, #tpu.memory_space<vmem>>, vector<1x128xi32>
    tpu.vector_store %arg6[%swap3A_199, %swap3A_200], %slice3A_198 {strides = array<i32>} : memref<64x128xi32, #tpu.memory_space<vmem>>, vector<1x128xi32>,
    %slice3A_202 = vector.extract_strided_slice %broadcast_in_dim3A_162 {offsets = [0, 1280], sizes = [1, 128], strides = [1, 1]} : vector<1x8192xi32> to vector<1x128xi32>
    %swap3A_203 = arith.constant 10 : index
    %swap3A_204 = arith.constant 0 : index
    %swap3A_205 = vector.load %arg6[%swap3A_203, %swap3A_204] : memref<64x128xi32, #tpu.memory_space<vmem>>, vector<1x128xi32>
    tpu.vector_store %arg6[%swap3A_203, %swap3A_204], %slice3A_202 {strides = array<i32>} : memref<64x128xi32, #tpu.memory_space<vmem>>, vector<1x128xi32>,
    %slice3A_206 = vector.extract_strided_slice %broadcast_in_dim3A_162 {offsets = [0, 1408], sizes = [1, 128], strides = [1, 1]} : vector<1x8192xi32> to vector<1x128xi32>
    %swap3A_207 = arith.constant 11 : index
    %swap3A_208 = arith.constant 0 : index
    %swap3A_209 = vector.load %arg6[%swap3A_207, %swap3A_208] : memref<64x128xi32, #tpu.memory_space<vmem>>, vector<1x128xi32>
    tpu.vector_store %arg6[%swap3A_207, %swap3A_208], %slice3A_206 {strides = array<i32>} : memref<64x128xi32, #tpu.memory_space<vmem>>, vector<1x128xi32>,
    %slice3A_210 = vector.extract_strided_slice %broadcast_in_dim3A_162 {offsets = [0, 1536], sizes = [1, 128], strides = [1, 1]} : vector<1x8192xi32> to vector<1x128xi32>
    %swap3A_211 = arith.constant 12 : index
    %swap3A_212 = arith.constant 0 : index
    %swap3A_213 = vector.load %arg6[%swap3A_211, %swap3A_212] : memref<64x128xi32, #tpu.memory_space<vmem>>, vector<1x128xi32>
    tpu.vector_store %arg6[%swap3A_211, %swap3A_212], %slice3A_210 {strides = array<i32>} : memref<64x128xi32, #tpu.memory_space<vmem>>, vector<1x128xi32>,
    %slice3A_214 = vector.extract_strided_slice %broadcast_in_dim3A_162 {offsets = [0, 1664], sizes = [1, 128], strides = [1, 1]} : vector<1x8192xi32> to vector<1x128xi32>
    %swap3A_215 = arith.constant 13 : index
    %swap3A_216 = arith.constant 0 : index
    %swap3A_217 = vector.load %arg6[%swap3A_215, %swap3A_216] : memref<64x128xi32, #tpu.memory_space<vmem>>, vector<1x128xi32>
    tpu.vector_store %arg6[%swap3A_215, %swap3A_216], %slice3A_214 {strides = array<i32>} : memref<64x128xi32, #tpu.memory_space<vmem>>, vector<1x128xi32>,
    %slice3A_218 = vector.extract_strided_slice %broadcast_in_dim3A_162 {offsets = [0, 1792], sizes = [1, 128], strides = [1, 1]} : vector<1x8192xi32> to vector<1x128xi32>
    %swap3A_219 = arith.constant 14 : index
    %swap3A_220 = arith.constant 0 : index
    %swap3A_221 = vector.load %arg6[%swap3A_219, %swap3A_220] : memref<64x128xi32, #tpu.memory_space<vmem>>, vector<1x128xi32>
    tpu.vector_store %arg6[%swap3A_219, %swap3A_220], %slice3A_218 {strides = array<i32>} : memref<64x128xi32, #tpu.memory_space<vmem>>, vector<1x128xi32>,
    %slice3A_222 = vector.extract_strided_slice %broadcast_in_dim3A_162 {offsets = [0, 1920], sizes = [1, 128], strides = [1, 1]} : vector<1x8192xi32> to vector<1x128xi32>
    %swap3A_223 = arith.constant 15 : index
    %swap3A_224 = arith.constant 0 : index
    %swap3A_225 = vector.load %arg6[%swap3A_223, %swap3A_224] : memref<64x128xi32, #tpu.memory_space<vmem>>, vector<1x128xi32>
    tpu.vector_store %arg6[%swap3A_223, %swap3A_224], %slice3A_222 {strides = array<i32>} : memref<64x128xi32, #tpu.memory_space<vmem>>, vector<1x128xi32>,
    %slice3A_226 = vector.extract_strided_slice %broadcast_in_dim3A_162 {offsets = [0, 2048], sizes = [1, 128], strides = [1, 1]} : vector<1x8192xi32> to vector<1x128xi32>
    %swap3A_227 = arith.constant 16 : index
    %swap3A_228 = arith.constant 0 : index
    %swap3A_229 = vector.load %arg6[%swap3A_227, %swap3A_228] : memref<64x128xi32, #tpu.memory_space<vmem>>, vector<1x128xi32>
    tpu.vector_store %arg6[%swap3A_227, %swap3A_228], %slice3A_226 {strides = array<i32>} : memref<64x128xi32, #tpu.memory_space<vmem>>, vector<1x128xi32>,
    %slice3A_230 = vector.extract_strided_slice %broadcast_in_dim3A_162 {offsets = [0, 2176], sizes = [1, 128], strides = [1, 1]} : vector<1x8192xi32> to vector<1x128xi32>
    %swap3A_231 = arith.constant 17 : index
    %swap3A_232 = arith.constant 0 : index
    %swap3A_233 = vector.load %arg6[%swap3A_231, %swap3A_232] : memref<64x128xi32, #tpu.memory_space<vmem>>, vector<1x128xi32>
    tpu.vector_store %arg6[%swap3A_231, %swap3A_232], %slice3A_230 {strides = array<i32>} : memref<64x128xi32, #tpu.memory_space<vmem>>, vector<1x128xi32>,
    %slice3A_234 = vector.extract_strided_slice %broadcast_in_dim3A_162 {offsets = [0, 2304], sizes = [1, 128], strides = [1, 1]} : vector<1x8192xi32> to vector<1x128xi32>
    %swap3A_235 = arith.constant 18 : index
    %swap3A_236 = arith.constant 0 : index
    %swap3A_237 = vector.load %arg6[%swap3A_235, %swap3A_236] : memref<64x128xi32, #tpu.memory_space<vmem>>, vector<1x128xi32>
    tpu.vector_store %arg6[%swap3A_235, %swap3A_236], %slice3A_234 {strides = array<i32>} : memref<64x128xi32, #tpu.memory_space<vmem>>, vector<1x128xi32>,
    %slice3A_238 = vector.extract_strided_slice %broadcast_in_dim3A_162 {offsets = [0, 2432], sizes = [1, 128], strides = [1, 1]} : vector<1x8192xi32> to vector<1x128xi32>
    %swap3A_239 = arith.constant 19 : index
    %swap3A_240 = arith.constant 0 : index
    %swap3A_241 = vector.load %arg6[%swap3A_239, %swap3A_240] : memref<64x128xi32, #tpu.memory_space<vmem>>, vector<1x128xi32>
    tpu.vector_store %arg6[%swap3A_239, %swap3A_240], %slice3A_238 {strides = array<i32>} : memref<64x128xi32, #tpu.memory_space<vmem>>, vector<1x128xi32>,
    %slice3A_242 = vector.extract_strided_slice %broadcast_in_dim3A_162 {offsets = [0, 2560], sizes = [1, 128], strides = [1, 1]} : vector<1x8192xi32> to vector<1x128xi32>
    %swap3A_243 = arith.constant 20 : index
    %swap3A_244 = arith.constant 0 : index
    %swap3A_245 = vector.load %arg6[%swap3A_243, %swap3A_244] : memref<64x128xi32, #tpu.memory_space<vmem>>, vector<1x128xi32>
    tpu.vector_store %arg6[%swap3A_243, %swap3A_244], %slice3A_242 {strides = array<i32>} : memref<64x128xi32, #tpu.memory_space<vmem>>, vector<1x128xi32>,
    %slice3A_246 = vector.extract_strided_slice %broadcast_in_dim3A_162 {offsets = [0, 2688], sizes = [1, 128], strides = [1, 1]} : vector<1x8192xi32> to vector<1x128xi32>
    %swap3A_247 = arith.constant 21 : index
    %swap3A_248 = arith.constant 0 : index
    %swap3A_249 = vector.load %arg6[%swap3A_247, %swap3A_248] : memref<64x128xi32, #tpu.memory_space<vmem>>, vector<1x128xi32>
    tpu.vector_store %arg6[%swap3A_247, %swap3A_248], %slice3A_246 {strides = array<i32>} : memref<64x128xi32, #tpu.memory_space<vmem>>, vector<1x128xi32>,
    %slice3A_250 = vector.extract_strided_slice %broadcast_in_dim3A_162 {offsets = [0, 2816], sizes = [1, 128], strides = [1, 1]} : vector<1x8192xi32> to vector<1x128xi32>
    %swap3A_251 = arith.constant 22 : index
    %swap3A_252 = arith.constant 0 : index
    %swap3A_253 = vector.load %arg6[%swap3A_251, %swap3A_252] : memref<64x128xi32, #tpu.memory_space<vmem>>, vector<1x128xi32>
    tpu.vector_store %arg6[%swap3A_251, %swap3A_252], %slice3A_250 {strides = array<i32>} : memref<64x128xi32, #tpu.memory_space<vmem>>, vector<1x128xi32>,
    %slice3A_254 = vector.extract_strided_slice %broadcast_in_dim3A_162 {offsets = [0, 2944], sizes = [1, 128], strides = [1, 1]} : vector<1x8192xi32> to vector<1x128xi32>
    %swap3A_255 = arith.constant 23 : index
    %swap3A_256 = arith.constant 0 : index
    %swap3A_257 = vector.load %arg6[%swap3A_255, %swap3A_256] : memref<64x128xi32, #tpu.memory_space<vmem>>, vector<1x128xi32>
    tpu.vector_store %arg6[%swap3A_255, %swap3A_256], %slice3A_254 {strides = array<i32>} : memref<64x128xi32, #tpu.memory_space<vmem>>, vector<1x128xi32>,
    %slice3A_258 = vector.extract_strided_slice %broadcast_in_dim3A_162 {offsets = [0, 3072], sizes = [1, 128], strides = [1, 1]} : vector<1x8192xi32> to vector<1x128xi32>
    %swap3A_259 = arith.constant 24 : index
    %swap3A_260 = arith.constant 0 : index
    %swap3A_261 = vector.load %arg6[%swap3A_259, %swap3A_260] : memref<64x128xi32, #tpu.memory_space<vmem>>, vector<1x128xi32>
    tpu.vector_store %arg6[%swap3A_259, %swap3A_260], %slice3A_258 {strides = array<i32>} : memref<64x128xi32, #tpu.memory_space<vmem>>, vector<1x128xi32>,
    %slice3A_262 = vector.extract_strided_slice %broadcast_in_dim3A_162 {offsets = [0, 3200], sizes = [1, 128], strides = [1, 1]} : vector<1x8192xi32> to vector<1x128xi32>
    %swap3A_263 = arith.constant 25 : index
    %swap3A_264 = arith.constant 0 : index
    %swap3A_265 = vector.load %arg6[%swap3A_263, %swap3A_264] : memref<64x128xi32, #tpu.memory_space<vmem>>, vector<1x128xi32>
    tpu.vector_store %arg6[%swap3A_263, %swap3A_264], %slice3A_262 {strides = array<i32>} : memref<64x128xi32, #tpu.memory_space<vmem>>, vector<1x128xi32>,
    %slice3A_266 = vector.extract_strided_slice %broadcast_in_dim3A_162 {offsets = [0, 3328], sizes = [1, 128], strides = [1, 1]} : vector<1x8192xi32> to vector<1x128xi32>
    %swap3A_267 = arith.constant 26 : index
    %swap3A_268 = arith.constant 0 : index
    %swap3A_269 = vector.load %arg6[%swap3A_267, %swap3A_268] : memref<64x128xi32, #tpu.memory_space<vmem>>, vector<1x128xi32>
    tpu.vector_store %arg6[%swap3A_267, %swap3A_268], %slice3A_266 {strides = array<i32>} : memref<64x128xi32, #tpu.memory_space<vmem>>, vector<1x128xi32>,
    %slice3A_270 = vector.extract_strided_slice %broadcast_in_dim3A_162 {offsets = [0, 3456], sizes = [1, 128], strides = [1, 1]} : vector<1x8192xi32> to vector<1x128xi32>
    %swap3A_271 = arith.constant 27 : index
    %swap3A_272 = arith.constant 0 : index
    %swap3A_273 = vector.load %arg6[%swap3A_271, %swap3A_272] : memref<64x128xi32, #tpu.memory_space<vmem>>, vector<1x128xi32>
    tpu.vector_store %arg6[%swap3A_271, %swap3A_272], %slice3A_270 {strides = array<i32>} : memref<64x128xi32, #tpu.memory_space<vmem>>, vector<1x128xi32>,
    %slice3A_274 = vector.extract_strided_slice %broadcast_in_dim3A_162 {offsets = [0, 3584], sizes = [1, 128], strides = [1, 1]} : vector<1x8192xi32> to vector<1x128xi32>
    %swap3A_275 = arith.constant 28 : index
    %swap3A_276 = arith.constant 0 : index
    %swap3A_277 = vector.load %arg6[%swap3A_275, %swap3A_276] : memref<64x128xi32, #tpu.memory_space<vmem>>, vector<1x128xi32>
    tpu.vector_store %arg6[%swap3A_275, %swap3A_276], %slice3A_274 {strides = array<i32>} : memref<64x128xi32, #tpu.memory_space<vmem>>, vector<1x128xi32>,
    %slice3A_278 = vector.extract_strided_slice %broadcast_in_dim3A_162 {offsets = [0, 3712], sizes = [1, 128], strides = [1, 1]} : vector<1x8192xi32> to vector<1x128xi32>
    %swap3A_279 = arith.constant 29 : index
    %swap3A_280 = arith.constant 0 : index
    %swap3A_281 = vector.load %arg6[%swap3A_279, %swap3A_280] : memref<64x128xi32, #tpu.memory_space<vmem>>, vector<1x128xi32>
    tpu.vector_store %arg6[%swap3A_279, %swap3A_280], %slice3A_278 {strides = array<i32>} : memref<64x128xi32, #tpu.memory_space<vmem>>, vector<1x128xi32>,
    %slice3A_282 = vector.extract_strided_slice %broadcast_in_dim3A_162 {offsets = [0, 3840], sizes = [1, 128], strides = [1, 1]} : vector<1x8192xi32> to vector<1x128xi32>
    %swap3A_283 = arith.constant 30 : index
    %swap3A_284 = arith.constant 0 : index
    %swap3A_285 = vector.load %arg6[%swap3A_283, %swap3A_284] : memref<64x128xi32, #tpu.memory_space<vmem>>, vector<1x128xi32>
    tpu.vector_store %arg6[%swap3A_283, %swap3A_284], %slice3A_282 {strides = array<i32>} : memref<64x128xi32, #tpu.memory_space<vmem>>, vector<1x128xi32>,
    %slice3A_286 = vector.extract_strided_slice %broadcast_in_dim3A_162 {offsets = [0, 3968], sizes = [1, 128], strides = [1, 1]} : vector<1x8192xi32> to vector<1x128xi32>
    %swap3A_287 = arith.constant 31 : index
    %swap3A_288 = arith.constant 0 : index
    %swap3A_289 = vector.load %arg6[%swap3A_287, %swap3A_288] : memref<64x128xi32, #tpu.memory_space<vmem>>, vector<1x128xi32>
    tpu.vector_store %arg6[%swap3A_287, %swap3A_288], %slice3A_286 {strides = array<i32>} : memref<64x128xi32, #tpu.memory_space<vmem>>, vector<1x128xi32>,
    %slice3A_290 = vector.extract_strided_slice %broadcast_in_dim3A_162 {offsets = [0, 4096], sizes = [1, 128], strides = [1, 1]} : vector<1x8192xi32> to vector<1x128xi32>
    %swap3A_291 = arith.constant 32 : index
    %swap3A_292 = arith.constant 0 : index
    %swap3A_293 = vector.load %arg6[%swap3A_291, %swap3A_292] : memref<64x128xi32, #tpu.memory_space<vmem>>, vector<1x128xi32>
    tpu.vector_store %arg6[%swap3A_291, %swap3A_292], %slice3A_290 {strides = array<i32>} : memref<64x128xi32, #tpu.memory_space<vmem>>, vector<1x128xi32>,
    %slice3A_294 = vector.extract_strided_slice %broadcast_in_dim3A_162 {offsets = [0, 4224], sizes = [1, 128], strides = [1, 1]} : vector<1x8192xi32> to vector<1x128xi32>
    %swap3A_295 = arith.constant 33 : index
    %swap3A_296 = arith.constant 0 : index
    %swap3A_297 = vector.load %arg6[%swap3A_295, %swap3A_296] : memref<64x128xi32, #tpu.memory_space<vmem>>, vector<1x128xi32>
    tpu.vector_store %arg6[%swap3A_295, %swap3A_296], %slice3A_294 {strides = array<i32>} : memref<64x128xi32, #tpu.memory_space<vmem>>, vector<1x128xi32>,
    %slice3A_298 = vector.extract_strided_slice %broadcast_in_dim3A_162 {offsets = [0, 4352], sizes = [1, 128], strides = [1, 1]} : vector<1x8192xi32> to vector<1x128xi32>
    %swap3A_299 = arith.constant 34 : index
    %swap3A_300 = arith.constant 0 : index
    %swap3A_301 = vector.load %arg6[%swap3A_299, %swap3A_300] : memref<64x128xi32, #tpu.memory_space<vmem>>, vector<1x128xi32>
    tpu.vector_store %arg6[%swap3A_299, %swap3A_300], %slice3A_298 {strides = array<i32>} : memref<64x128xi32, #tpu.memory_space<vmem>>, vector<1x128xi32>,
    %slice3A_302 = vector.extract_strided_slice %broadcast_in_dim3A_162 {offsets = [0, 4480], sizes = [1, 128], strides = [1, 1]} : vector<1x8192xi32> to vector<1x128xi32>
    %swap3A_303 = arith.constant 35 : index
    %swap3A_304 = arith.constant 0 : index
    %swap3A_305 = vector.load %arg6[%swap3A_303, %swap3A_304] : memref<64x128xi32, #tpu.memory_space<vmem>>, vector<1x128xi32>
    tpu.vector_store %arg6[%swap3A_303, %swap3A_304], %slice3A_302 {strides = array<i32>} : memref<64x128xi32, #tpu.memory_space<vmem>>, vector<1x128xi32>,
    %slice3A_306 = vector.extract_strided_slice %broadcast_in_dim3A_162 {offsets = [0, 4608], sizes = [1, 128], strides = [1, 1]} : vector<1x8192xi32> to vector<1x128xi32>
    %swap3A_307 = arith.constant 36 : index
    %swap3A_308 = arith.constant 0 : index
    %swap3A_309 = vector.load %arg6[%swap3A_307, %swap3A_308] : memref<64x128xi32, #tpu.memory_space<vmem>>, vector<1x128xi32>
    tpu.vector_store %arg6[%swap3A_307, %swap3A_308], %slice3A_306 {strides = array<i32>} : memref<64x128xi32, #tpu.memory_space<vmem>>, vector<1x128xi32>,
    %slice3A_310 = vector.extract_strided_slice %broadcast_in_dim3A_162 {offsets = [0, 4736], sizes = [1, 128], strides = [1, 1]} : vector<1x8192xi32> to vector<1x128xi32>
    %swap3A_311 = arith.constant 37 : index
    %swap3A_312 = arith.constant 0 : index
    %swap3A_313 = vector.load %arg6[%swap3A_311, %swap3A_312] : memref<64x128xi32, #tpu.memory_space<vmem>>, vector<1x128xi32>
    tpu.vector_store %arg6[%swap3A_311, %swap3A_312], %slice3A_310 {strides = array<i32>} : memref<64x128xi32, #tpu.memory_space<vmem>>, vector<1x128xi32>,
    %slice3A_314 = vector.extract_strided_slice %broadcast_in_dim3A_162 {offsets = [0, 4864], sizes = [1, 128], strides = [1, 1]} : vector<1x8192xi32> to vector<1x128xi32>
    %swap3A_315 = arith.constant 38 : index
    %swap3A_316 = arith.constant 0 : index
    %swap3A_317 = vector.load %arg6[%swap3A_315, %swap3A_316] : memref<64x128xi32, #tpu.memory_space<vmem>>, vector<1x128xi32>
    tpu.vector_store %arg6[%swap3A_315, %swap3A_316], %slice3A_314 {strides = array<i32>} : memref<64x128xi32, #tpu.memory_space<vmem>>, vector<1x128xi32>,
    %slice3A_318 = vector.extract_strided_slice %broadcast_in_dim3A_162 {offsets = [0, 4992], sizes = [1, 128], strides = [1, 1]} : vector<1x8192xi32> to vector<1x128xi32>
    %swap3A_319 = arith.constant 39 : index
    %swap3A_320 = arith.constant 0 : index
    %swap3A_321 = vector.load %arg6[%swap3A_319, %swap3A_320] : memref<64x128xi32, #tpu.memory_space<vmem>>, vector<1x128xi32>
    tpu.vector_store %arg6[%swap3A_319, %swap3A_320], %slice3A_318 {strides = array<i32>} : memref<64x128xi32, #tpu.memory_space<vmem>>, vector<1x128xi32>,
    %slice3A_322 = vector.extract_strided_slice %broadcast_in_dim3A_162 {offsets = [0, 5120], sizes = [1, 128], strides = [1, 1]} : vector<1x8192xi32> to vector<1x128xi32>
    %swap3A_323 = arith.constant 40 : index
    %swap3A_324 = arith.constant 0 : index
    %swap3A_325 = vector.load %arg6[%swap3A_323, %swap3A_324] : memref<64x128xi32, #tpu.memory_space<vmem>>, vector<1x128xi32>
    tpu.vector_store %arg6[%swap3A_323, %swap3A_324], %slice3A_322 {strides = array<i32>} : memref<64x128xi32, #tpu.memory_space<vmem>>, vector<1x128xi32>,
    %slice3A_326 = vector.extract_strided_slice %broadcast_in_dim3A_162 {offsets = [0, 5248], sizes = [1, 128], strides = [1, 1]} : vector<1x8192xi32> to vector<1x128xi32>
    %swap3A_327 = arith.constant 41 : index
    %swap3A_328 = arith.constant 0 : index
    %swap3A_329 = vector.load %arg6[%swap3A_327, %swap3A_328] : memref<64x128xi32, #tpu.memory_space<vmem>>, vector<1x128xi32>
    tpu.vector_store %arg6[%swap3A_327, %swap3A_328], %slice3A_326 {strides = array<i32>} : memref<64x128xi32, #tpu.memory_space<vmem>>, vector<1x128xi32>,
    %slice3A_330 = vector.extract_strided_slice %broadcast_in_dim3A_162 {offsets = [0, 5376], sizes = [1, 128], strides = [1, 1]} : vector<1x8192xi32> to vector<1x128xi32>
    %swap3A_331 = arith.constant 42 : index
    %swap3A_332 = arith.constant 0 : index
    %swap3A_333 = vector.load %arg6[%swap3A_331, %swap3A_332] : memref<64x128xi32, #tpu.memory_space<vmem>>, vector<1x128xi32>
    tpu.vector_store %arg6[%swap3A_331, %swap3A_332], %slice3A_330 {strides = array<i32>} : memref<64x128xi32, #tpu.memory_space<vmem>>, vector<1x128xi32>,
    %slice3A_334 = vector.extract_strided_slice %broadcast_in_dim3A_162 {offsets = [0, 5504], sizes = [1, 128], strides = [1, 1]} : vector<1x8192xi32> to vector<1x128xi32>
    %swap3A_335 = arith.constant 43 : index
    %swap3A_336 = arith.constant 0 : index
    %swap3A_337 = vector.load %arg6[%swap3A_335, %swap3A_336] : memref<64x128xi32, #tpu.memory_space<vmem>>, vector<1x128xi32>
    tpu.vector_store %arg6[%swap3A_335, %swap3A_336], %slice3A_334 {strides = array<i32>} : memref<64x128xi32, #tpu.memory_space<vmem>>, vector<1x128xi32>,
    %slice3A_338 = vector.extract_strided_slice %broadcast_in_dim3A_162 {offsets = [0, 5632], sizes = [1, 128], strides = [1, 1]} : vector<1x8192xi32> to vector<1x128xi32>
    %swap3A_339 = arith.constant 44 : index
    %swap3A_340 = arith.constant 0 : index
    %swap3A_341 = vector.load %arg6[%swap3A_339, %swap3A_340] : memref<64x128xi32, #tpu.memory_space<vmem>>, vector<1x128xi32>
    tpu.vector_store %arg6[%swap3A_339, %swap3A_340], %slice3A_338 {strides = array<i32>} : memref<64x128xi32, #tpu.memory_space<vmem>>, vector<1x128xi32>,
    %slice3A_342 = vector.extract_strided_slice %broadcast_in_dim3A_162 {offsets = [0, 5760], sizes = [1, 128], strides = [1, 1]} : vector<1x8192xi32> to vector<1x128xi32>
    %swap3A_343 = arith.constant 45 : index
    %swap3A_344 = arith.constant 0 : index
    %swap3A_345 = vector.load %arg6[%swap3A_343, %swap3A_344] : memref<64x128xi32, #tpu.memory_space<vmem>>, vector<1x128xi32>
    tpu.vector_store %arg6[%swap3A_343, %swap3A_344], %slice3A_342 {strides = array<i32>} : memref<64x128xi32, #tpu.memory_space<vmem>>, vector<1x128xi32>,
    %slice3A_346 = vector.extract_strided_slice %broadcast_in_dim3A_162 {offsets = [0, 5888], sizes = [1, 128], strides = [1, 1]} : vector<1x8192xi32> to vector<1x128xi32>
    %swap3A_347 = arith.constant 46 : index
    %swap3A_348 = arith.constant 0 : index
    %swap3A_349 = vector.load %arg6[%swap3A_347, %swap3A_348] : memref<64x128xi32, #tpu.memory_space<vmem>>, vector<1x128xi32>
    tpu.vector_store %arg6[%swap3A_347, %swap3A_348], %slice3A_346 {strides = array<i32>} : memref<64x128xi32, #tpu.memory_space<vmem>>, vector<1x128xi32>,
    %slice3A_350 = vector.extract_strided_slice %broadcast_in_dim3A_162 {offsets = [0, 6016], sizes = [1, 128], strides = [1, 1]} : vector<1x8192xi32> to vector<1x128xi32>
    %swap3A_351 = arith.constant 47 : index
    %swap3A_352 = arith.constant 0 : index
    %swap3A_353 = vector.load %arg6[%swap3A_351, %swap3A_352] : memref<64x128xi32, #tpu.memory_space<vmem>>, vector<1x128xi32>
    tpu.vector_store %arg6[%swap3A_351, %swap3A_352], %slice3A_350 {strides = array<i32>} : memref<64x128xi32, #tpu.memory_space<vmem>>, vector<1x128xi32>,
    %slice3A_354 = vector.extract_strided_slice %broadcast_in_dim3A_162 {offsets = [0, 6144], sizes = [1, 128], strides = [1, 1]} : vector<1x8192xi32> to vector<1x128xi32>
    %swap3A_355 = arith.constant 48 : index
    %swap3A_356 = arith.constant 0 : index
    %swap3A_357 = vector.load %arg6[%swap3A_355, %swap3A_356] : memref<64x128xi32, #tpu.memory_space<vmem>>, vector<1x128xi32>
    tpu.vector_store %arg6[%swap3A_355, %swap3A_356], %slice3A_354 {strides = array<i32>} : memref<64x128xi32, #tpu.memory_space<vmem>>, vector<1x128xi32>,
    %slice3A_358 = vector.extract_strided_slice %broadcast_in_dim3A_162 {offsets = [0, 6272], sizes = [1, 128], strides = [1, 1]} : vector<1x8192xi32> to vector<1x128xi32>
    %swap3A_359 = arith.constant 49 : index
    %swap3A_360 = arith.constant 0 : index
    %swap3A_361 = vector.load %arg6[%swap3A_359, %swap3A_360] : memref<64x128xi32, #tpu.memory_space<vmem>>, vector<1x128xi32>
    tpu.vector_store %arg6[%swap3A_359, %swap3A_360], %slice3A_358 {strides = array<i32>} : memref<64x128xi32, #tpu.memory_space<vmem>>, vector<1x128xi32>,
    %slice3A_362 = vector.extract_strided_slice %broadcast_in_dim3A_162 {offsets = [0, 6400], sizes = [1, 128], strides = [1, 1]} : vector<1x8192xi32> to vector<1x128xi32>
    %swap3A_363 = arith.constant 50 : index
    %swap3A_364 = arith.constant 0 : index
    %swap3A_365 = vector.load %arg6[%swap3A_363, %swap3A_364] : memref<64x128xi32, #tpu.memory_space<vmem>>, vector<1x128xi32>
    tpu.vector_store %arg6[%swap3A_363, %swap3A_364], %slice3A_362 {strides = array<i32>} : memref<64x128xi32, #tpu.memory_space<vmem>>, vector<1x128xi32>,
    %slice3A_366 = vector.extract_strided_slice %broadcast_in_dim3A_162 {offsets = [0, 6528], sizes = [1, 128], strides = [1, 1]} : vector<1x8192xi32> to vector<1x128xi32>
    %swap3A_367 = arith.constant 51 : index
    %swap3A_368 = arith.constant 0 : index
    %swap3A_369 = vector.load %arg6[%swap3A_367, %swap3A_368] : memref<64x128xi32, #tpu.memory_space<vmem>>, vector<1x128xi32>
    tpu.vector_store %arg6[%swap3A_367, %swap3A_368], %slice3A_366 {strides = array<i32>} : memref<64x128xi32, #tpu.memory_space<vmem>>, vector<1x128xi32>,
    %slice3A_370 = vector.extract_strided_slice %broadcast_in_dim3A_162 {offsets = [0, 6656], sizes = [1, 128], strides = [1, 1]} : vector<1x8192xi32> to vector<1x128xi32>
    %swap3A_371 = arith.constant 52 : index
    %swap3A_372 = arith.constant 0 : index
    %swap3A_373 = vector.load %arg6[%swap3A_371, %swap3A_372] : memref<64x128xi32, #tpu.memory_space<vmem>>, vector<1x128xi32>
    tpu.vector_store %arg6[%swap3A_371, %swap3A_372], %slice3A_370 {strides = array<i32>} : memref<64x128xi32, #tpu.memory_space<vmem>>, vector<1x128xi32>,
    %slice3A_374 = vector.extract_strided_slice %broadcast_in_dim3A_162 {offsets = [0, 6784], sizes = [1, 128], strides = [1, 1]} : vector<1x8192xi32> to vector<1x128xi32>
    %swap3A_375 = arith.constant 53 : index
    %swap3A_376 = arith.constant 0 : index
    %swap3A_377 = vector.load %arg6[%swap3A_375, %swap3A_376] : memref<64x128xi32, #tpu.memory_space<vmem>>, vector<1x128xi32>
    tpu.vector_store %arg6[%swap3A_375, %swap3A_376], %slice3A_374 {strides = array<i32>} : memref<64x128xi32, #tpu.memory_space<vmem>>, vector<1x128xi32>,
    %slice3A_378 = vector.extract_strided_slice %broadcast_in_dim3A_162 {offsets = [0, 6912], sizes = [1, 128], strides = [1, 1]} : vector<1x8192xi32> to vector<1x128xi32>
    %swap3A_379 = arith.constant 54 : index
    %swap3A_380 = arith.constant 0 : index
    %swap3A_381 = vector.load %arg6[%swap3A_379, %swap3A_380] : memref<64x128xi32, #tpu.memory_space<vmem>>, vector<1x128xi32>
    tpu.vector_store %arg6[%swap3A_379, %swap3A_380], %slice3A_378 {strides = array<i32>} : memref<64x128xi32, #tpu.memory_space<vmem>>, vector<1x128xi32>,
    %slice3A_382 = vector.extract_strided_slice %broadcast_in_dim3A_162 {offsets = [0, 7040], sizes = [1, 128], strides = [1, 1]} : vector<1x8192xi32> to vector<1x128xi32>
    %swap3A_383 = arith.constant 55 : index
    %swap3A_384 = arith.constant 0 : index
    %swap3A_385 = vector.load %arg6[%swap3A_383, %swap3A_384] : memref<64x128xi32, #tpu.memory_space<vmem>>, vector<1x128xi32>
    tpu.vector_store %arg6[%swap3A_383, %swap3A_384], %slice3A_382 {strides = array<i32>} : memref<64x128xi32, #tpu.memory_space<vmem>>, vector<1x128xi32>,
    %slice3A_386 = vector.extract_strided_slice %broadcast_in_dim3A_162 {offsets = [0, 7168], sizes = [1, 128], strides = [1, 1]} : vector<1x8192xi32> to vector<1x128xi32>
    %swap3A_387 = arith.constant 56 : index
    %swap3A_388 = arith.constant 0 : index
    %swap3A_389 = vector.load %arg6[%swap3A_387, %swap3A_388] : memref<64x128xi32, #tpu.memory_space<vmem>>, vector<1x128xi32>
    tpu.vector_store %arg6[%swap3A_387, %swap3A_388], %slice3A_386 {strides = array<i32>} : memref<64x128xi32, #tpu.memory_space<vmem>>, vector<1x128xi32>,
    %slice3A_390 = vector.extract_strided_slice %broadcast_in_dim3A_162 {offsets = [0, 7296], sizes = [1, 128], strides = [1, 1]} : vector<1x8192xi32> to vector<1x128xi32>
    %swap3A_391 = arith.constant 57 : index
    %swap3A_392 = arith.constant 0 : index
    %swap3A_393 = vector.load %arg6[%swap3A_391, %swap3A_392] : memref<64x128xi32, #tpu.memory_space<vmem>>, vector<1x128xi32>
    tpu.vector_store %arg6[%swap3A_391, %swap3A_392], %slice3A_390 {strides = array<i32>} : memref<64x128xi32, #tpu.memory_space<vmem>>, vector<1x128xi32>,
    %slice3A_394 = vector.extract_strided_slice %broadcast_in_dim3A_162 {offsets = [0, 7424], sizes = [1, 128], strides = [1, 1]} : vector<1x8192xi32> to vector<1x128xi32>
    %swap3A_395 = arith.constant 58 : index
    %swap3A_396 = arith.constant 0 : index
    %swap3A_397 = vector.load %arg6[%swap3A_395, %swap3A_396] : memref<64x128xi32, #tpu.memory_space<vmem>>, vector<1x128xi32>
    tpu.vector_store %arg6[%swap3A_395, %swap3A_396], %slice3A_394 {strides = array<i32>} : memref<64x128xi32, #tpu.memory_space<vmem>>, vector<1x128xi32>,
    %slice3A_398 = vector.extract_strided_slice %broadcast_in_dim3A_162 {offsets = [0, 7552], sizes = [1, 128], strides = [1, 1]} : vector<1x8192xi32> to vector<1x128xi32>
    %swap3A_399 = arith.constant 59 : index
    %swap3A_400 = arith.constant 0 : index
    %swap3A_401 = vector.load %arg6[%swap3A_399, %swap3A_400] : memref<64x128xi32, #tpu.memory_space<vmem>>, vector<1x128xi32>
    tpu.vector_store %arg6[%swap3A_399, %swap3A_400], %slice3A_398 {strides = array<i32>} : memref<64x128xi32, #tpu.memory_space<vmem>>, vector<1x128xi32>,
    %slice3A_402 = vector.extract_strided_slice %broadcast_in_dim3A_162 {offsets = [0, 7680], sizes = [1, 128], strides = [1, 1]} : vector<1x8192xi32> to vector<1x128xi32>
    %swap3A_403 = arith.constant 60 : index
    %swap3A_404 = arith.constant 0 : index
    %swap3A_405 = vector.load %arg6[%swap3A_403, %swap3A_404] : memref<64x128xi32, #tpu.memory_space<vmem>>, vector<1x128xi32>
    tpu.vector_store %arg6[%swap3A_403, %swap3A_404], %slice3A_402 {strides = array<i32>} : memref<64x128xi32, #tpu.memory_space<vmem>>, vector<1x128xi32>,
    %slice3A_406 = vector.extract_strided_slice %broadcast_in_dim3A_162 {offsets = [0, 7808], sizes = [1, 128], strides = [1, 1]} : vector<1x8192xi32> to vector<1x128xi32>
    %swap3A_407 = arith.constant 61 : index
    %swap3A_408 = arith.constant 0 : index
    %swap3A_409 = vector.load %arg6[%swap3A_407, %swap3A_408] : memref<64x128xi32, #tpu.memory_space<vmem>>, vector<1x128xi32>
    tpu.vector_store %arg6[%swap3A_407, %swap3A_408], %slice3A_406 {strides = array<i32>} : memref<64x128xi32, #tpu.memory_space<vmem>>, vector<1x128xi32>,
    %slice3A_410 = vector.extract_strided_slice %broadcast_in_dim3A_162 {offsets = [0, 7936], sizes = [1, 128], strides = [1, 1]} : vector<1x8192xi32> to vector<1x128xi32>
    %swap3A_411 = arith.constant 62 : index
    %swap3A_412 = arith.constant 0 : index
    %swap3A_413 = vector.load %arg6[%swap3A_411, %swap3A_412] : memref<64x128xi32, #tpu.memory_space<vmem>>, vector<1x128xi32>
    tpu.vector_store %arg6[%swap3A_411, %swap3A_412], %slice3A_410 {strides = array<i32>} : memref<64x128xi32, #tpu.memory_space<vmem>>, vector<1x128xi32>,
    %slice3A_414 = vector.extract_strided_slice %broadcast_in_dim3A_162 {offsets = [0, 8064], sizes = [1, 128], strides = [1, 1]} : vector<1x8192xi32> to vector<1x128xi32>
    %swap3A_415 = arith.constant 63 : index
    %swap3A_416 = arith.constant 0 : index
    %swap3A_417 = vector.load %arg6[%swap3A_415, %swap3A_416] : memref<64x128xi32, #tpu.memory_space<vmem>>, vector<1x128xi32>
    tpu.vector_store %arg6[%swap3A_415, %swap3A_416], %slice3A_414 {strides = array<i32>} : memref<64x128xi32, #tpu.memory_space<vmem>>, vector<1x128xi32>,
    %get3A_418 = arith.constant 0 : index
    %get3A_419 = arith.constant 0 : index
    %get3A_420 = vector.load %arg7[%get3A_418, %get3A_419] : memref<1x1xf32, #tpu.memory_space<vmem>>, vector<1x1xf32>
    %reduce_sum3A = vector.shape_cast %broadcast_in_dim3A : vector<1x8192xf32> to vector<1x1x8192xf32>
    %reduce_sum3A_421 = arith.constant dense<0.000000e+00> : vector<1xf32>
    %reduce_sum3A_422 = vector.multi_reduction <add>, %reduce_sum3A, %reduce_sum3A_421 [1, 2] : vector<1x1x8192xf32> to vector<1xf32>
    %reduce_sum3A_423 = vector.shape_cast %reduce_sum3A_422 : vector<1xf32> to vector<1x1x1xf32>
    %reduce_sum3A_424 = vector.extract %reduce_sum3A_423[0, 0, 0] : f32 from vector<1x1x1xf32>
    %reshape3A = vector.broadcast %reduce_sum3A_424 : f32 to vector<1x1xf32>
    %add3A_425 = arith.addf %get3A_420, %reshape3A : vector<1x1xf32>
    %swap3A_426 = arith.constant 0 : index
    %swap3A_427 = arith.constant 0 : index
    %swap3A_428 = vector.load %arg7[%swap3A_426, %swap3A_427] : memref<1x1xf32, #tpu.memory_space<vmem>>, vector<1x1xf32>
    tpu.vector_store %arg7[%swap3A_426, %swap3A_427], %add3A_425 {strides = array<i32>} : memref<1x1xf32, #tpu.memory_space<vmem>>, vector<1x1xf32>,
    return
  }
  func.func @transform_0(%arg0: i32, %arg1: i32) -> (i32, i32, i32) {
    %c0_i32 = arith.constant 0 : i32
    %c0_i32_0 = arith.constant 0 : i32
    return %arg0, %c0_i32, %arg1 : i32, i32, i32
  }
  func.func @transform_1(%arg0: i32, %arg1: i32) -> (i32, i32) {
    %c0_i32 = arith.constant 0 : i32
    %c0_i32_0 = arith.constant 0 : i32
    %c0_i32_1 = arith.constant 0 : i32
    return %c0_i32, %c0_i32_0 : i32, i32
  }
  func.func @transform_2(%arg0: i32, %arg1: i32) -> (i32, i32) {
    %c0_i32 = arith.constant 0 : i32
    %c0_i32_0 = arith.constant 0 : i32
    %c0_i32_1 = arith.constant 0 : i32
    return %c0_i32, %c0_i32_0 : i32, i32
  }
  func.func @transform_3(%arg0: i32, %arg1: i32) -> (i32, i32) {
    %c0_i32 = arith.constant 0 : i32
    %c0_i32_0 = arith.constant 0 : i32
    %c0_i32_1 = arith.constant 0 : i32
    return %c0_i32, %c0_i32_0 : i32, i32
  }
  func.func @transform_4(%arg0: i32, %arg1: i32) -> (i32, i32) {
    %mul3A = arith.constant 2 : i32
    %mul3A_0 = arith.muli %arg0, %mul3A : i32
    %add3A = arith.addi %mul3A_0, %arg1 : i32
    %c0_i32 = arith.constant 0 : i32
    %c0_i32_1 = arith.constant 0 : i32
    return %add3A, %c0_i32 : i32, i32
  }
  func.func @transform_5(%arg0: i32, %arg1: i32) -> (i32, i32) {
    %c0_i32 = arith.constant 0 : i32
    %c0_i32_0 = arith.constant 0 : i32
    %c0_i32_1 = arith.constant 0 : i32
    return %c0_i32, %c0_i32_0 : i32, i32
  }
  func.func @transform_6(%arg0: i32, %arg1: i32) -> (i32, i32) {
    %c0_i32 = arith.constant 0 : i32
    %c0_i32_0 = arith.constant 0 : i32
    %c0_i32_1 = arith.constant 0 : i32
    return %c0_i32, %c0_i32_0 : i32, i32
  }
}

module attributes {stable_mosaic.version = 14 : i64} {
  func.func @_stage3_body(%arg0: i32, %arg1: i32, %arg2: memref<1x4096x128xf32, #tpu.memory_space<vmem>>, %arg3: memref<192x64xf32, #tpu.memory_space<vmem>>, %arg4: memref<192x1xf32, #tpu.memory_space<vmem>>, %arg5: memref<1x192x4096xf32, #tpu.memory_space<vmem>>) attributes {dimension_semantics = [#tpu.dimension_semantics<arbitrary>, #tpu.dimension_semantics<arbitrary>], iteration_bounds = array<i64: 2, 4>, scalar_prefetch = 0 : i64, scratch_operands = 0 : i64, tpu.core_type = #tpu.core_type<tc>, window_params = [{transform_indices = @transform_0, window_bounds = array<i64: 1, 4096, 128>}, {pipeline_mode = #tpu.pipeline_mode<synchronous>, transform_indices = @transform_1, window_bounds = array<i64: 192, 64>}, {pipeline_mode = #tpu.pipeline_mode<synchronous>, transform_indices = @transform_2, window_bounds = array<i64: 192, 1>}, {transform_indices = @transform_3, window_bounds = array<i64: 1, 192, 4096>}]} {
    %get3A = arith.constant 0 : index
    %get3A_0 = arith.constant 0 : index
    %get3A_1 = arith.constant 0 : index
    %get3A_2 = vector.load %arg2[%get3A, %get3A_0, %get3A_1] : memref<1x4096x128xf32, #tpu.memory_space<vmem>>, vector<1x4096x128xf32>
    %get3A_3 = vector.shape_cast %get3A_2 : vector<1x4096x128xf32> to vector<4096x128xf32>
    %slice3A = vector.extract_strided_slice %get3A_3 {offsets = [0, 0], sizes = [4096, 64], strides = [1, 1]} : vector<4096x128xf32> to vector<4096x64xf32>
    %get3A_4 = arith.constant 0 : index
    %get3A_5 = arith.constant 0 : index
    %get3A_6 = vector.load %arg3[%get3A_4, %get3A_5] : memref<192x64xf32, #tpu.memory_space<vmem>>, vector<192x64xf32>
    %dot_general3A = arith.constant dense<0.000000e+00> : vector<192x4096xf32>
    %dot_general3A_7 = tpu.matmul %get3A_6, %slice3A, %dot_general3A {dimension_numbers = #tpu.dot_dimension_numbers<[1], [1], [0], [0], [0, 0, 1, 0], [], []>, transpose_lhs_hint = false} : vector<192x64xf32>, vector<4096x64xf32>, vector<192x4096xf32> -> vector<192x4096xf32>
    %get3A_8 = arith.constant 0 : index
    %get3A_9 = arith.constant 0 : index
    %get3A_10 = vector.load %arg4[%get3A_8, %get3A_9] : memref<192x1xf32, #tpu.memory_space<vmem>>, vector<192x1xf32>
    %add3A = vector.broadcast %get3A_10 : vector<192x1xf32> to vector<192x4096xf32>
    %add3A_11 = arith.addf %dot_general3A_7, %add3A : vector<192x4096xf32>
    %swap3A = arith.constant 0 : index
    %swap3A_12 = arith.constant 0 : index
    %swap3A_13 = arith.constant 0 : index
    %swap3A_14 = vector.load %arg5[%swap3A, %swap3A_12, %swap3A_13] : memref<1x192x4096xf32, #tpu.memory_space<vmem>>, vector<1x192x4096xf32>
    %swap3A_15 = vector.shape_cast %swap3A_14 : vector<1x192x4096xf32> to vector<192x4096xf32>
    %swap3A_16 = vector.shape_cast %add3A_11 : vector<192x4096xf32> to vector<1x192x4096xf32>
    tpu.vector_store %arg5[%swap3A, %swap3A_12, %swap3A_13], %swap3A_16 {strides = array<i32>} : memref<1x192x4096xf32, #tpu.memory_space<vmem>>, vector<1x192x4096xf32>,
    return
  }
  func.func @transform_0(%arg0: i32, %arg1: i32) -> (i32, i32, i32) {
    %c0_i32 = arith.constant 0 : i32
    %c0_i32_0 = arith.constant 0 : i32
    return %arg0, %arg1, %c0_i32 : i32, i32, i32
  }
  func.func @transform_1(%arg0: i32, %arg1: i32) -> (i32, i32) {
    %c0_i32 = arith.constant 0 : i32
    %c0_i32_0 = arith.constant 0 : i32
    %c0_i32_1 = arith.constant 0 : i32
    return %c0_i32, %c0_i32_0 : i32, i32
  }
  func.func @transform_2(%arg0: i32, %arg1: i32) -> (i32, i32) {
    %c0_i32 = arith.constant 0 : i32
    %c0_i32_0 = arith.constant 0 : i32
    %c0_i32_1 = arith.constant 0 : i32
    return %c0_i32, %c0_i32_0 : i32, i32
  }
  func.func @transform_3(%arg0: i32, %arg1: i32) -> (i32, i32, i32) {
    %c0_i32 = arith.constant 0 : i32
    %c0_i32_0 = arith.constant 0 : i32
    return %arg0, %c0_i32, %arg1 : i32, i32, i32
  }
}

</mosaic_0001>

<sc_bundles>
// kernel: kernel.5.cloned.1.call-start
scs
__scs_entry_jumppad:
0x0: {  	(pc) =	sbr.rel $0x88, $3  }
0x1: {  	(tag) =	ssettag $0x0;
	lr =	simm.s32 $0x1  }
0x2: {  	[smem:$0x3F9B] =	sst lr;
	_ =	strace $0xD0000000  }
0x3: {  	_ = 	snop  }
0x4: {  	_ = 	snop  }
0x5: {  	_ = 	snop  }
0x6: {  	_ = 	snop  }
0x7: {  	_ = 	snop  }
__scs_overlays_trampoline_lowered:
0x8: {  	[smem:$0x3FAA] =	sst s0  }
0x9: {  	[smem:$0x3FAB] =	sst s1  }
0xa: {  	[smem:$0x3FAC] =	sst s2  }
0xb: {  	[smem:$0x3FAD] =	sst s3  }
0xc: {  	[smem:$0x3FAE] =	sst s4  }
0xd: {  	[smem:$0x3FAF] =	sst s5  }
0xe: {  	[smem:$0x3FB0] =	sst s6  }
0xf: {  	[smem:$0x3FB1] =	sst s7  }
0x10: {  	[smem:$0x3FB2] =	sst s8  }
0x11: {  	[smem:$0x3FB3] =	sst s9;
	s0 =	simm.s32 @!p0 $0x0  }
0x12: {  	s1 =	sld [smem:$0x3F99];
	s0 =	simm.s32 @p0 $0x1  }
0x13: {  	[smem:$0x3FB4] =	sst s0;
	s0 =	simm.s32 @!p1 $0x0  }
0x14: {  	s2 =	sld [smem:$0x3F98];
	s0 =	simm.s32 @p1 $0x1  }
0x15: {  	[smem:$0x3FB5] =	sst s0;
	s0 =	simm.s32 @!p2 $0x0  }
0x16: {  	s3 =	sld [smem:$0x3FDB];
	s0 =	simm.s32 @p2 $0x1  }
0x17: {  	s4 =	simm.s32 $0x1BF5;
	[smem:$0x3FB7] =	sst s0  }
0x18: {  	s0 =	sld [smem:$0x3F9A];
	_ =	swait.ge [sflag:s4], $0x0  }
0x19: {  	s7 =	sld [smem:$0x3F9B]  }
0x1a: {  	s8 =	sadd.s32 $0xFFFFE003, lr  }
0x1b: {  	s9 =	sadd.s32 $0xFFFFFEF7, lr;
	s5 =	simm.s32 $0xFFFFFFFF;
	p2 =	slt.u32 s8, $0xFFFFF086  }
0x1c: {  	p1 =	slt.u32 s9, $0xF7A;
	s5 =	simm.s32 @!p2 $0x0  }
0x1d: {  	s5 =	simm.s32 @p1 $0x1;
	p0 =	seq.s32 s7, s2  }
0x1e: {  	s7 =	smul.u32 @!p0 $0xF7A, s2;
	p2 =	seq.s32 @!p0 s5, $0x0  }
0x1f: {  	s9 =	smul.u32 $0xF7A, s1;
	s8 =	simm.s32 @!p0 $0x1BF5;
	p2 =	por !p2, p0  }
0x20: {  	[sflag:s8] =	ssyncset.s32 @!p0 $0xFFFFF086;
	s6 =	sadd.s32 @!p0 s3, s7;
	s7 =	simm.s32 @!p0 $0x108  }
0x21: {  	s3 =	sadd.s32 s3, s9;
	s6 =	sadd.s32 @!p0 $0x88, s6;
	s7 =	simm.s32 @p2 $0x1082  }
0x22: {  	[simem:s7], [sflag:s8] =	dma.local @!p0 [hbm:s6], $0xF7A  }
0x23: {  	s9 =	sor.u32 $0xD0000000, s2;
	s6 =	simm.s32 $0x108;
	_ =	swait.ge @!p0 [sflag:s8], $0x0  }
0x24: {  	s3 =	sadd.s32 $0x88, s3;
	s6 =	simm.s32 @!p1 $0x1082;
	[sflag:s4] =	ssyncset.s32 $0xFFFFF086  }
0x25: {  	[simem:s6], [sflag:s4] =	dma.local [hbm:s3], $0xF7A  }
0x26: {  	[smem:$0x3F9B] =	sst s1;
	(tag) =	ssettag s2;
	_ =	strace s9  }
0x27: {  	s1 =	sld [smem:$0x3FAB]  }
0x28: {  	s2 =	sld [smem:$0x3FAC]  }
0x29: {  	s4 =	sld [smem:$0x3FAE]  }
0x2a: {  	p0 =	seq.s32 s5, $0x0;
	s5 =	sld [smem:$0x3FAF]  }
0x2b: {  	s6 =	sld [smem:$0x3FB0]  }
0x2c: {  	s7 =	sld [smem:$0x3FB1]  }
0x2d: {  	s3 =	simm.s32 $0x108;
	s8 =	sld [smem:$0x3FB2]  }
0x2e: {  	s3 =	simm.s32 @!p0 $0x1082;
	s9 =	sld [smem:$0x3FB3]  }
0x2f: {  	lr =	sadd.s32 s0, s3;
	s0 =	sld [smem:$0x3FAA]  }
0x30: {  	s3 =	sld [smem:$0x3FAD]  }
0x31: {  	[smem:$0x3FB6] =	sst s10  }
0x32: {  	s10 =	sld [smem:$0x3FB4];
	_ =	sdelay $0x3  }
0x33: {  	p0 =	seq.s32 s10, $0x1;
	s10 =	sld [smem:$0x3FB6];
	_ =	sdelay $0x3  }
0x34: {  	[smem:$0x3FB6] =	sst s10  }
0x35: {  	s10 =	sld [smem:$0x3FB5];
	_ =	sdelay $0x3  }
0x36: {  	p1 =	seq.s32 s10, $0x1;
	s10 =	sld [smem:$0x3FB6];
	_ =	sdelay $0x3  }
0x37: {  	[smem:$0x3FB6] =	sst s10  }
0x38: {  	s10 =	sld [smem:$0x3FB7]  }
0x39: {  	_ = 	snop;
	(pc) =	sbr.ind lr, $3  }
0x3a: {  	_ = 	snop  }
0x3b: {  	_ = 	snop  }
0x3c: {  	p2 =	seq.s32 s10, $0x1;
	s10 =	sld [smem:$0x3FB6]  }
0x3d: {  	_ =	shalt  }
0x3e: {  	_ =	shalt  }
0x3f: {  	_ =	shalt  }
0x40: {  	_ =	shalt  }
0x41: {  	_ =	shalt  }
0x42: {  	_ =	shalt  }
0x43: {  	_ =	shalt  }
0x44: {  	_ =	shalt  }
0x45: {  	_ =	shalt  }
0x46: {  	_ =	shalt  }
0x47: {  	_ =	shalt  }
0x48: {  	_ =	shalt  }
0x49: {  	_ =	shalt  }
0x4a: {  	_ =	shalt  }
0x4b: {  	_ =	shalt  }
0x4c: {  	_ =	shalt  }
0x4d: {  	_ =	shalt  }
0x4e: {  	_ =	shalt  }
0x4f: {  	_ =	shalt  }
0x50: {  	_ =	shalt  }
0x51: {  	_ =	shalt  }
0x52: {  	_ =	shalt  }
0x53: {  	_ =	shalt  }
0x54: {  	_ =	shalt  }
0x55: {  	_ =	shalt  }
0x56: {  	_ =	shalt  }
0x57: {  	_ =	shalt  }
0x58: {  	_ =	shalt  }
0x59: {  	_ =	shalt  }
0x5a: {  	_ =	shalt  }
0x5b: {  	_ =	shalt  }
0x5c: {  	_ =	shalt  }
0x5d: {  	_ =	shalt  }
0x5e: {  	_ =	shalt  }
0x5f: {  	_ =	shalt  }
0x60: {  	_ =	shalt  }
0x61: {  	_ =	shalt  }
0x62: {  	_ =	shalt  }
0x63: {  	_ =	shalt  }
0x64: {  	_ =	shalt  }
0x65: {  	_ =	shalt  }
0x66: {  	_ =	shalt  }
0x67: {  	_ =	shalt  }
0x68: {  	_ =	shalt  }
0x69: {  	_ =	shalt  }
0x6a: {  	_ =	shalt  }
0x6b: {  	_ =	shalt  }
0x6c: {  	_ =	shalt  }
0x6d: {  	_ =	shalt  }
0x6e: {  	_ =	shalt  }
0x6f: {  	_ =	shalt  }
0x70: {  	_ =	shalt  }
0x71: {  	_ =	shalt  }
0x72: {  	_ =	shalt  }
0x73: {  	_ =	shalt  }
0x74: {  	_ =	shalt  }
0x75: {  	_ =	shalt  }
0x76: {  	_ =	shalt  }
0x77: {  	_ =	shalt  }
0x78: {  	_ =	shalt  }
0x79: {  	_ =	shalt  }
0x7a: {  	_ =	shalt  }
0x7b: {  	_ =	shalt  }
0x7c: {  	_ =	shalt  }
0x7d: {  	_ =	shalt  }
0x7e: {  	_ =	shalt  }
0x7f: {  	_ =	shalt  }
0x80: {  	_ =	shalt  }
0x81: {  	_ =	shalt  }
0x82: {  	_ =	shalt  }
0x83: {  	_ =	shalt  }
0x84: {  	_ =	shalt  }
0x85: {  	_ =	shalt  }
0x86: {  	_ =	shalt  }
0x87: {  	_ =	shalt  }
.Lfunc_end0:
.L_simem_size_0:
called_computation_lowered:
.L_overlay_start_0:
0x88: {  	s2 =	sld [smem:$0x3FD9]  }
0x89: {  	s3 =	sld [smem:$0x3FFE];
	_ =	sdelay $0x1  }
0x8a: {  	s1 =	srdreg.scid  }
0x8b: {  	s0 =	sand.u32 $0x1, s1  }
0x8c: {  	s14 =	sshll.u32 s0, $0xA;
	s2 =	sadd.s32 s3, s2  }
0x8d: {  	s2 =	sadd.s32 s2, s14  }
0x8e: {  	[smem:$0x3FC2] =	sst s2  }
0x8f: {  	_ = 	snop  }
0x90: {  	s2 =	sld [smem:$0x3FD0];
	_ =	sdelay $0x2  }
0x91: {  	s15 =	simm.s32 $0xA;
	s4 =	simm.s32 $0x10  }
0x92: {  	[smem:s4], [sflag:s15] =	dma.local [hbm:s2], $0x1  }
0x93: {  	_ =	swait.eq [sflag:s15], $0x1  }
0x94: {  	[sflag:s15] =	ssyncset.done $0x0  }
0x95: {  	s16 =	sld [smem:$0x10];
	[sflag:s15] =	ssyncadd.s32 $0xFFFFFFFF  }
0x96: {  	s17 =	sld [smem:$0x12];
	(tm) =	ssettm $0x1  }
0x97: {  	s18 =	sld [smem:$0x3FFB];
	_ =	sdelay $0x3  }
0x98: {  	_ =	strace s18  }
0x99: {  	s4 =	sld [smem:$0x3FFC];
	_ =	sdelay $0x3  }
0x9a: {  	_ =	strace s4  }
0x9b: {  	s4 =	sld [smem:$0x3FFD];
	_ =	sdelay $0x3  }
0x9c: {  	_ =	strace s4  }
0x9d: {  	_ =	strace $0x8FFFFFFF  }
0x9e: {  	s19 =	sld [smem:$0x3FDB];
	_ =	sdelay $0x1  }
0x9f: {  	s5 =	simm.s32 $_scs_section_size  }
0xa0: {  	s6 =	simm.s32 $_size__tile_overlayer_lowered;
	s7 =	simm.s32 $_tile_overlayer_lowered  }
0xa1: {  	s22 =	simm.s32 $0x1BFF;
	s21 =	sshll.u32 s7, $0x1;
	s4 =	sadd.s32 s5, s19  }
0xa2: {  	s8 =	simm.s32 $0x0;
	s20 =	sshll.u32 s6, $0x1;
	s6 =	sadd.s32 s21, s4  }
0xa3: {  	[timem:s8], [sflag:s22] =	dma.local [hbm:s6], s20  }
0xa4: {  	_ =	swait.ge [sflag:s22], s20  }
0xa5: {  	s5 =	ssub.s32 $0x0, s20;
	[sflag:s22] =	ssyncset.done $0x0  }
0xa6: {  	[sflag:s22] =	ssyncadd.s32 s5;
	_ =	sdelay $0x1  }
0xa7: {  	s23 =	simm.s32 $0x1B8B  }
0xa8: {  	_ =	swait.ge [sflag:s23], $0x1  }
0xa9: {  	[sflag:s23] =	ssyncset.done $0x0  }
0xaa: {  	s25 =	simm.s32 $0x1B8E;
	s24 =	sld [smem:$0x3FFE];
	[sflag:s23] =	ssyncadd.s32 $0xFFFFFFFF  }
0xab: {  	s26 =	simm.s32 $execute0_lowered;
	[smem:$0x3FD2] =	sst s25  }
0xac: {  	s6 =	sshll.u32 s26, $0x1;
	_ =	strace $0x80000046;
	[dreg:$0x1] =	wrdreg $0xFFFFFFFF  }
0xad: {  	s28 =	simm.s32 $_size_execute0_lowered;
	s4 =	sadd.s32 s4, s6;
	[dreg:$0x0] =	wrdreg $0x0  }
0xae: {  	s6 =	sshll.u32 s28, $0x1;
	[dreg:$0x2] =	wrdreg s4  }
0xaf: {  	[dreg:$0x3] =	wrdreg s6  }
0xb0: {  	[dreg:$0x4] =	wrdreg $0xC0  }
0xb1: {  	_ =	task [dreg:s8], $0x5FFFF  }
0xb2: {  	[dreg:$0x1] =	wrdreg $0xFFFFFFFF  }
0xb3: {  	[dreg:$0x0] =	wrdreg $0x60  }
0xb4: {  	[dreg:$0x2] =	wrdreg s24  }
0xb5: {  	[dreg:$0x3] =	wrdreg s17  }
0xb6: {  	[dreg:$0x4] =	wrdreg s16  }
0xb7: {  	[dreg:$0x5] =	wrdreg $0x9  }
0xb8: {  	_ =	task.clear_ibuf [dreg:s8], $0x6FFFF;
	_ =	strace $0x90000046  }
0xb9: {  	s29 =	simm.s32 $0x9;
	_ =	strace $0x80000048  }
0xba: {  	_ =	swait.ge [sflag:s29], $0x1  }
0xbb: {  	[sflag:s29] =	ssyncadd.s32 $0xFFFFFFFF  }
0xbc: {  	_ =	strace $0x90000048  }
0xbd: {  	_ =	sfence  }
0xbe: {  	s30 =	sld [smem:$0x0];
	_ =	sdelay $0x2  }
0xbf: {  	s31 =	sshll.u32 s1, $0xD;
	s1 =	sshrl.u32 s1, $0x2  }
0xc0: {  	s3 =	sand.u32 $0x4000, s31;
	s1 =	sadd.s32 s1, s30  }
0xc1: {  	s0 =	sor.u32 s3, s0;
	s1 =	sshll.u32 s1, $0x11  }
0xc2: {  	s0 =	sor.u32 s1, s0  }
0xc3: {  	s0 =	sadd.s32 $0x8F2B, s0  }
0xc4: {  	[sflag:s0] =	ssyncadd.remote.s32 $0x1  }
0xc5: {  	_ =	sfence.sel $0xFFFF  }
0xc6: {  	[dreg:$0x0] =	wrdreg $0xFFFFFFFF;
	(pc) =	sbr.abs _section_cstart, $3  }
0xc7: {  	[dreg:$0x1] =	wrdreg $0xFFFFFFFF  }
0xc8: {  	_ =	task.clear_ibuf [dreg:s8], $0x2FFFF;
	_ =	strace $0x9FFFFFFF  }
0xc9: {  	(tm) =	ssettm $0x7FFFFFFF  }
tec
execute0_lowered:
.L_overlay_start_1:
0x0: {  	(tag) =	ssettag $0x1  }
0x1: {  	s5 =	rddreg [dreg:$0x0]  }
0x2: {  	s3 =	rddreg [dreg:$0x1]  }
0x3: {  	s1 =	srdreg.scid;
	s0 =	stileid.u32  }
0x4: {  	s14 =	rddreg [dreg:$0x2];
	s19 =	sand.u32 $0x1, s1;
	s4 =	sshll.u32 s0, $0x1  }
0x5: {  	s2 =	simm.s32 $0x0;
	s1 =	rddreg [dreg:$0x3];
	s15 =	sor.u32 s19, s4  }
0x6: {  	[smem:$0x7FF] =	sst s2;
	s4 =	sshll.u32 s15, $0x7  }
0x7: {  	_ =	strace $0x80000047;
	s4 =	sadd.s32 s3, s4;
	s3 =	simm.s32 $0x2  }
0x8: {  	[tilespmem:s2], [sflag:$0x2] =	stream.linear.gather [hbm4b:s4+s2], $0x400, $0x38;
	[tilespmem:$0x10400] =	vst v63  }
0x9: {  	_ =	swait.ge [sflag:s3], $0x400  }
0xa: {  	s6 =	simm.s32 $0x80;
	[sflag:s3] =	ssyncset.done $0x0  }
0xb: {  	s7 =	simm.s32 $0x400;
	s5 =	sadd.s32 $0x1000, s5;
	[sflag:s3] =	ssyncadd.s32 $0xFFFFFC00  }
0xc: {  	[tilespmem:s7], [sflag:$0x1] =	stream.indirect.gather [hbm4b:s5+s6], $0x80, s2, s6, $0xb8;
	[tilespmem:$0x10400] =	vst v63  }
0xd: {  	s8 =	simm.s32 $0x4400  }
0xe: {  	[tilespmem:s8], [sflag:$0x1] =	stream.indirect.gather [hbm4b:s5+s6], $0x80, s6, s6, $0xb8;
	[tilespmem:$0x10400] =	vst v63  }
0xf: {  	s9 =	simm.s32 $0x100;
	s10 =	simm.s32 $0x8400  }
0x10: {  	[tilespmem:s10], [sflag:$0x1] =	stream.indirect.gather [hbm4b:s5+s6], $0x80, s9, s6, $0xb8;
	[tilespmem:$0x10400] =	vst v63  }
0x11: {  	s11 =	simm.s32 $0x180;
	s12 =	simm.s32 $0xC400;
	s13 =	simm.s32 $0x1  }
0x12: {  	[tilespmem:s12], [sflag:$0x1] =	stream.indirect.gather [hbm4b:s5+s6], $0x80, s11, s6, $0xb8;
	[tilespmem:$0x10400] =	vst v63  }
0x13: {  	_ =	swait.ge [sflag:s13], $0x4000  }
0x14: {  	[sflag:s13] =	ssyncset.done $0x0  }
0x15: {  	[sflag:s13] =	ssyncadd.s32 $0xFFFFC000  }
0x16: {  	_ =	swait.ge [sflag:s13], $0x4000  }
0x17: {  	[sflag:s13] =	ssyncset.done $0x0  }
0x18: {  	[sflag:s13] =	ssyncadd.s32 $0xFFFFC000  }
0x19: {  	_ =	swait.ge [sflag:s13], $0x4000  }
0x1a: {  	[sflag:s13] =	ssyncset.done $0x0  }
0x1b: {  	[sflag:s13] =	ssyncadd.s32 $0xFFFFC000  }
0x1c: {  	_ =	swait.ge [sflag:s13], $0x4000  }
0x1d: {  	s15 =	sshll.u32 s15, $0xE;
	[sflag:s13] =	ssyncset.done $0x0  }
0x1e: {  	s14 =	sadd.s32 s14, s15;
	[sflag:s13] =	ssyncadd.s32 $0xFFFFC000  }
0x1f: {  	[hbm4b:s14+s2] =	stream.linear.scatter [tilespmem:s7], [sflag:$0x2], $0x10000, $0x38;
	[tilespmem:$0x10400] =	vst v63  }
0x20: {  	_ =	swait.ge [sflag:s3], $0x10000  }
0x21: {  	[sflag:s3] =	ssyncset.done $0x0  }
0x22: {  	s15 =	simm.s32 $0x200;
	[sflag:s3] =	ssyncadd.s32 $0xFFFF0000  }
0x23: {  	[tilespmem:s7], [sflag:$0x1] =	stream.indirect.gather [hbm4b:s5+s6], $0x80, s15, s6, $0xb8;
	[tilespmem:$0x10400] =	vst v63  }
0x24: {  	s16 =	simm.s32 $0x280  }
0x25: {  	[tilespmem:s8], [sflag:$0x1] =	stream.indirect.gather [hbm4b:s5+s6], $0x80, s16, s6, $0xb8;
	[tilespmem:$0x10400] =	vst v63  }
0x26: {  	s17 =	simm.s32 $0x300  }
0x27: {  	[tilespmem:s10], [sflag:$0x1] =	stream.indirect.gather [hbm4b:s5+s6], $0x80, s17, s6, $0xb8;
	[tilespmem:$0x10400] =	vst v63  }
0x28: {  	s18 =	simm.s32 $0x380  }
0x29: {  	[tilespmem:s12], [sflag:$0x1] =	stream.indirect.gather [hbm4b:s5+s6], $0x80, s18, s6, $0xb8;
	[tilespmem:$0x10400] =	vst v63  }
0x2a: {  	_ =	swait.ge [sflag:s13], $0x4000  }
0x2b: {  	[sflag:s13] =	ssyncset.done $0x0  }
0x2c: {  	[sflag:s13] =	ssyncadd.s32 $0xFFFFC000  }
0x2d: {  	_ =	swait.ge [sflag:s13], $0x4000  }
0x2e: {  	[sflag:s13] =	ssyncset.done $0x0  }
0x2f: {  	s19 =	ssub.s32 $0x2, s19;
	[sflag:s13] =	ssyncadd.s32 $0xFFFFC000  }
0x30: {  	s20 =	sshrl.u32 s19, $0x1;
	_ =	swait.ge [sflag:s13], $0x4000  }
0x31: {  	s20 =	ssub.s32 s19, s20;
	[sflag:s13] =	ssyncset.done $0x0  }
0x32: {  	s20 =	smax.u32 s20, $0x1;
	[sflag:s13] =	ssyncadd.s32 $0xFFFFC000  }
0x33: {  	p0 =	sne.s32 s20, $0x1;
	_ =	swait.ge [sflag:s13], $0x4000  }
.Ltmp0:
0x34: {  	[sflag:s13] =	ssyncset.done $0x0;
	(pc) =	sbr.rel @!p0 .LBB2_2-.Ltmp0, $4  }
0x35: {  	s19 =	sadd.s32 $0x2000, s14;
	[sflag:s13] =	ssyncadd.s32 $0xFFFFC000  }
0x36: {  	[hbm4b:s19+s2] =	stream.linear.scatter [tilespmem:s7], [sflag:$0x2], $0x10000, $0x38;
	[tilespmem:$0x10400] =	vst v63  }
0x37: {  	_ =	swait.ge [sflag:s3], $0x10000  }
0x38: {  	s20 =	sadd.s32 $0xFFFFFFFF, s20;
	[sflag:s3] =	ssyncset.done $0x0  }
.LBB2_1:
0x39: {  	p0 =	sne.s32 s20, $0x1;
	s20 =	sadd.s32 $0xFFFFFFFF, s20;
	[sflag:s3] =	ssyncadd.s32 $0xFFFF0000  }
0x3a: {  	[tilespmem:s2], [sflag:$0x2] =	stream.linear.gather [hbm4b:s4+s2], $0x400, $0x38;
	[tilespmem:$0x10400] =	vst v63  }
0x3b: {  	_ =	swait.ge [sflag:s3], $0x400  }
0x3c: {  	[sflag:s3] =	ssyncset.done $0x0  }
0x3d: {  	[sflag:s3] =	ssyncadd.s32 $0xFFFFFC00  }
0x3e: {  	[tilespmem:s7], [sflag:$0x1] =	stream.indirect.gather [hbm4b:s5+s6], $0x80, s2, s6, $0xb8;
	[tilespmem:$0x10400] =	vst v63  }
0x3f: {  	_ = 	snop  }
0x40: {  	[tilespmem:s8], [sflag:$0x1] =	stream.indirect.gather [hbm4b:s5+s6], $0x80, s6, s6, $0xb8;
	[tilespmem:$0x10400] =	vst v63  }
0x41: {  	_ = 	snop  }
0x42: {  	[tilespmem:s10], [sflag:$0x1] =	stream.indirect.gather [hbm4b:s5+s6], $0x80, s9, s6, $0xb8;
	[tilespmem:$0x10400] =	vst v63  }
0x43: {  	_ = 	snop  }
0x44: {  	[tilespmem:s12], [sflag:$0x1] =	stream.indirect.gather [hbm4b:s5+s6], $0x80, s11, s6, $0xb8;
	[tilespmem:$0x10400] =	vst v63  }
0x45: {  	_ =	swait.ge [sflag:s13], $0x4000  }
0x46: {  	[sflag:s13] =	ssyncset.done $0x0  }
0x47: {  	[sflag:s13] =	ssyncadd.s32 $0xFFFFC000  }
0x48: {  	_ =	swait.ge [sflag:s13], $0x4000  }
0x49: {  	[sflag:s13] =	ssyncset.done $0x0  }
0x4a: {  	[sflag:s13] =	ssyncadd.s32 $0xFFFFC000  }
0x4b: {  	_ =	swait.ge [sflag:s13], $0x4000  }
0x4c: {  	[sflag:s13] =	ssyncset.done $0x0  }
0x4d: {  	[sflag:s13] =	ssyncadd.s32 $0xFFFFC000  }
0x4e: {  	_ =	swait.ge [sflag:s13], $0x4000  }
0x4f: {  	[sflag:s13] =	ssyncset.done $0x0  }
0x50: {  	[sflag:s13] =	ssyncadd.s32 $0xFFFFC000  }
0x51: {  	[hbm4b:s14+s2] =	stream.linear.scatter [tilespmem:s7], [sflag:$0x2], $0x10000, $0x38;
	[tilespmem:$0x10400] =	vst v63  }
0x52: {  	_ =	swait.ge [sflag:s3], $0x10000  }
0x53: {  	[sflag:s3] =	ssyncset.done $0x0  }
0x54: {  	[sflag:s3] =	ssyncadd.s32 $0xFFFF0000  }
0x55: {  	[tilespmem:s7], [sflag:$0x1] =	stream.indirect.gather [hbm4b:s5+s6], $0x80, s15, s6, $0xb8;
	[tilespmem:$0x10400] =	vst v63  }
0x56: {  	_ = 	snop  }
0x57: {  	[tilespmem:s8], [sflag:$0x1] =	stream.indirect.gather [hbm4b:s5+s6], $0x80, s16, s6, $0xb8;
	[tilespmem:$0x10400] =	vst v63  }
0x58: {  	_ = 	snop  }
0x59: {  	[tilespmem:s10], [sflag:$0x1] =	stream.indirect.gather [hbm4b:s5+s6], $0x80, s17, s6, $0xb8;
	[tilespmem:$0x10400] =	vst v63  }
0x5a: {  	_ = 	snop  }
0x5b: {  	[tilespmem:s12], [sflag:$0x1] =	stream.indirect.gather [hbm4b:s5+s6], $0x80, s18, s6, $0xb8;
	[tilespmem:$0x10400] =	vst v63  }
0x5c: {  	_ =	swait.ge [sflag:s13], $0x4000  }
0x5d: {  	[sflag:s13] =	ssyncset.done $0x0  }
0x5e: {  	[sflag:s13] =	ssyncadd.s32 $0xFFFFC000  }
0x5f: {  	_ =	swait.ge [sflag:s13], $0x4000  }
0x60: {  	[sflag:s13] =	ssyncset.done $0x0  }
0x61: {  	[sflag:s13] =	ssyncadd.s32 $0xFFFFC000  }
0x62: {  	_ =	swait.ge [sflag:s13], $0x4000  }
0x63: {  	[sflag:s13] =	ssyncset.done $0x0  }
0x64: {  	[sflag:s13] =	ssyncadd.s32 $0xFFFFC000  }
0x65: {  	_ =	swait.ge [sflag:s13], $0x4000  }
.Ltmp1:
0x66: {  	[sflag:s13] =	ssyncset.done $0x0;
	(pc) =	sbr.rel @p0 .LBB2_1-.Ltmp1, $4  }
0x67: {  	[sflag:s13] =	ssyncadd.s32 $0xFFFFC000  }
0x68: {  	[hbm4b:s19+s2] =	stream.linear.scatter [tilespmem:s7], [sflag:$0x2], $0x10000, $0x38;
	[tilespmem:$0x10400] =	vst v63  }
0x69: {  	_ =	swait.ge [sflag:s3], $0x10000  }
0x6a: {  	[sflag:s3] =	ssyncset.done $0x0  }
.LBB2_2:
0x6b: {  	[sflag:s3] =	ssyncadd.s32 $0xFFFF0000  }
0x6c: {  	_ =	sfence.sel $0x180000  }
0x6d: {  	[bflag:$0x0] =	sbarrier.arrive $0xFFFF  }
0x6e: {  	p0 =	sne.s32 s0, $0x0;
	_ =	strace $0x90000047  }
0x6f: {  	s0 =	sadd.s32 @!p0 $0x100000, s1;
	[bflag:$0x2] =	sbarrier.arrive $0xFFFF  }
0x70: {  	[sflag:s0] =	ssyncadd.tile.s32 @!p0 $0x1;
	_ =	shalt  }
.Lfunc_end2:
_tile_overlayer_lowered:
.L_overlay_start_2:
0x71: {  	(tag) =	ssettag $0x2  }
0x72: {  	s0 =	rddreg [dreg:$0x0];
	s2 =	stileid.u32  }
0x73: {  	s1 =	rddreg [dreg:$0x1];
	p0 =	sne.s32 s2, $0x0  }
0x74: {  	s3 =	rddreg [dreg:$0x2];
	[bflag:$0x3] =	sbarrier.arrive $0xFFFF;
	s2 =	simm.s32 @!p0 $0x1C02  }
0x75: {  	[timem:s3], [sflag:s2] =	dma.local @!p0 [hbm:s0], s1  }
0x76: {  	s0 =	simm.s32 @!p0 $0x2  }
0x77: {  	_ =	swait.ge @!p0 [sflag:s0], s1  }
0x78: {  	s1 =	ssub.s32 @!p0 $0x0, s1;
	[sflag:s0] =	ssyncset.done @!p0 $0x0  }
0x79: {  	[sflag:s0] =	ssyncadd.s32 @!p0 s1  }
0x7a: {  	[bflag:$0x3] =	sbarrier.arrive $0xFFFF  }
0x7b: {  	_ =	shalt  }

</sc_bundles>
